<compile_context>
chip_gen: v7x
topology: tpu7x:2x2x1
jax: 0.10.2.dev20260603
libtpu: 0.0.44.dev20260713+nightly
codegen_flags: <defaults>
</compile_context>

<pallas_src>
import jax
import jax.numpy as jnp
from jax import lax
from jax.experimental import pallas as pl
from jax.experimental.pallas import tpu as pltpu
from jax.experimental.pallas import tpu_sc as plsc

N_CLS = 128
N_CTX = 32
HALF = N_CTX // 2
N_EXPERTS = 64
TOP_K = 4
CTX_DIM = 768
SEQ_LEN = 77
SUF_LEN = SEQ_LEN - 1 - N_CTX
EXP_FLAT = (HALF - 1) * CTX_DIM
N_SEG = HALF - 1
SEG = CTX_DIM
LANES = 16

NC = 2
NS = 16


def _gate_body(rad_ref, w_gate_ref, shared_ref, ws_w_ref, ws_b_ref,
               idx_ref, gates_ref, ctx_s_ref, aux_ref):
    ctx_s = lax.dot_general(shared_ref[...], ws_w_ref[...],
                            (((1,), (1,)), ((), ())),
                            preferred_element_type=jnp.float32)
    ctx_s_ref[...] = ctx_s + ws_b_ref[...]

    logits = lax.dot_general(rad_ref[...], w_gate_ref[...],
                             (((1,), (0,)), ((), ())),
                             preferred_element_type=jnp.float32)
    iota = lax.broadcasted_iota(jnp.int32, (1, N_EXPERTS), 1)
    v = logits
    vals, idxs = [], []
    for _ in range(TOP_K):
        s = jnp.max(v)
        e = jnp.min(jnp.where(v == s, iota, N_EXPERTS))
        vals.append(s)
        idxs.append(e)
        v = jnp.where(iota == e, -jnp.inf, v)

    m = vals[0]
    exps = [jnp.exp(val - m) for val in vals]
    tot = exps[0] + exps[1] + exps[2] + exps[3]
    gs = [ex / tot for ex in exps]

    g64 = jnp.zeros((1, N_EXPERTS), jnp.float32)
    for k in range(TOP_K):
        g64 = jnp.where(iota == idxs[k], gs[k], g64)
    s1 = jnp.sum(g64)
    s2 = jnp.sum(g64 * g64)
    mean = s1 / N_EXPERTS
    var = (s2 - N_EXPERTS * mean * mean) / (N_EXPERTS - 1)
    aux_ref[...] = jnp.full((1, 1), var / (mean * mean + 1e-10), jnp.float32)

    iota16 = lax.broadcasted_iota(jnp.int32, (1, LANES), 1)
    iv = jnp.zeros((1, LANES), jnp.int32)
    for k in range(TOP_K):
        iv = jnp.where(iota16 == k, idxs[k], iv)
    idx_ref[...] = iv
    row4 = lax.broadcasted_iota(jnp.int32, (TOP_K, LANES), 0)
    gsp = jnp.zeros((TOP_K, LANES), jnp.float32)
    for k in range(TOP_K):
        gsp = jnp.where(row4 == k, gs[k], gsp)
    gates_ref[...] = gsp


def _mix_body(ctx_hbm, idx_hbm, gates_hbm, out_hbm,
              idx_v, g_v, ids_v, rows_v, acc_v, sem):
    cid = lax.axis_index("c")
    sid = lax.axis_index("s")
    wid = cid * NS + sid

    @pl.when(wid < N_SEG)
    def _():
        pltpu.sync_copy(idx_hbm, idx_v)
        pltpu.sync_copy(gates_hbm, g_v)
        iv = idx_v[...]
        ids_v[...] = iv * N_SEG + jnp.broadcast_to(wid, (LANES,))
        pltpu.async_copy(ctx_hbm.at[ids_v.at[pl.ds(0, TOP_K)]],
                         rows_v, sem).wait()
        gks = [g_v[k] for k in range(TOP_K)]
        for j in range(SEG // LANES):
            sl = pl.ds(j * LANES, LANES)
            acc = gks[0] * rows_v[0, sl]
            for k in range(1, TOP_K):
                acc = acc + gks[k] * rows_v[k, sl]
            acc_v[sl] = acc
        pltpu.sync_copy(acc_v, out_hbm.at[pl.ds(wid * SEG, SEG)])


def _asm_body(prefix_ref, suffix_ref, ctxg_ref, mix_ref, ctxs_ref, out_ref):
    blk = out_ref.shape[0]
    out_ref[:, 0:1, :] = prefix_ref[...]
    out_ref[:, 1:1 + HALF, :] = jnp.broadcast_to(
        ctxg_ref[...][None], (blk, HALF, CTX_DIM))
    out_ref[:, 1 + HALF:N_CTX, :] = jnp.broadcast_to(
        mix_ref[...][None], (blk, HALF - 1, CTX_DIM))
    out_ref[:, N_CTX:N_CTX + 1, :] = jnp.broadcast_to(
        ctxs_ref[...][None], (blk, 1, CTX_DIM))
    out_ref[:, N_CTX + 1:, :] = suffix_ref[...]


def _gating(rad, shared, ctx_g, w_gate, ws_w, ws_b):
    del ctx_g
    return pl.pallas_call(
        _gate_body,
        out_shape=(
            jax.ShapeDtypeStruct((1, LANES), jnp.int32),
            jax.ShapeDtypeStruct((TOP_K, LANES), jnp.float32),
            jax.ShapeDtypeStruct((1, CTX_DIM), jnp.float32),
            jax.ShapeDtypeStruct((1, 1), jnp.float32),
        ),
    )(rad, w_gate, shared, ws_w, ws_b)


def _mix_call():
    return pl.kernel(
        _mix_body,
        out_type=jax.ShapeDtypeStruct((EXP_FLAT,), jnp.float32),
        mesh=plsc.VectorSubcoreMesh(core_axis_name="c", subcore_axis_name="s"),
        scratch_types=[
            pltpu.VMEM((LANES,), jnp.int32),
            pltpu.VMEM((TOP_K, LANES), jnp.float32),
            pltpu.VMEM((LANES,), jnp.int32),
            pltpu.VMEM((TOP_K, SEG), jnp.float32),
            pltpu.VMEM((SEG,), jnp.float32),
            pltpu.SemaphoreType.DMA,
        ],
    )


BLK = 32


def _assemble(token_prefix, token_suffix, ctx_g, mix, ctx_s):
    return pl.pallas_call(
        _asm_body,
        grid=(N_CLS // BLK,),
        in_specs=[
            pl.BlockSpec((BLK, 1, CTX_DIM), lambda i: (i, 0, 0)),
            pl.BlockSpec((BLK, SUF_LEN, CTX_DIM), lambda i: (i, 0, 0)),
            pl.BlockSpec((HALF, CTX_DIM), lambda i: (0, 0)),
            pl.BlockSpec((HALF - 1, CTX_DIM), lambda i: (0, 0)),
            pl.BlockSpec((1, CTX_DIM), lambda i: (0, 0)),
        ],
        out_specs=pl.BlockSpec((BLK, SEQ_LEN, CTX_DIM), lambda i: (i, 0, 0)),
        out_shape=jax.ShapeDtypeStruct((N_CLS, SEQ_LEN, CTX_DIM), jnp.float32),
    )(token_prefix, token_suffix, ctx_g, mix, ctx_s)


def kernel(rad, shared, ctx_g, ctx_c, Ws_w, Ws_b, w_gate,
           token_prefix, token_suffix, tokenized_prompts):
    idx16, gates16, ctx_s, aux = _gating(
        rad, shared, ctx_g, w_gate, Ws_w, Ws_b.reshape(1, CTX_DIM))
    mix_flat = _mix_call()(ctx_c, idx16.reshape(LANES), gates16)
    mix = mix_flat.reshape(HALF - 1, CTX_DIM)
    prompts = _assemble(token_prefix, token_suffix, ctx_g, mix, ctx_s)
    return prompts, tokenized_prompts, aux.reshape(())

# --- scband reference (transcript-rebuilt; emitter-appended) ---
"""Pipeline reference for scband-lprompt-learner-path-33689723469991 (READ-ONLY COPY).

The authoritative reference and input builder live on the scoring server;
editing this copy changes nothing except your own understanding.
"""

import jax, jax.numpy as jnp
import numpy as np

N_CLS = 128
N_CTX = 32
HALF = N_CTX // 2
N_EXPERTS = 64
TOP_K = 4
CTX_DIM = 768
SEQ_LEN = 77
RAD_DIM = 512
SHARED_DIM = 256


def cv_squared(x):
    eps = 1e-10
    return jnp.var(x, ddof=1) / (jnp.mean(x) ** 2 + eps)


def setup_inputs(seed: int = 0) -> dict:
    key = jax.random.key(seed)
    ks = jax.random.split(key, 9)
    rad = jax.random.normal(ks[0], (1, RAD_DIM), dtype=jnp.float32)
    shared = jax.random.normal(ks[1], (1, SHARED_DIM), dtype=jnp.float32)
    ctx_g = 0.02 * jax.random.normal(ks[2], (HALF, CTX_DIM), dtype=jnp.float32)
    ctx_c = 0.02 * jax.random.normal(ks[3], ((HALF - 1) * N_EXPERTS, CTX_DIM), dtype=jnp.float32)
    Ws_w = jax.random.normal(ks[4], (CTX_DIM, SHARED_DIM), dtype=jnp.float32) / np.sqrt(SHARED_DIM)
    Ws_b = jnp.zeros((CTX_DIM,), dtype=jnp.float32)
    w_gate = 0.02 * jax.random.normal(ks[5], (RAD_DIM, N_EXPERTS), dtype=jnp.float32)
    token_prefix = 0.02 * jax.random.normal(ks[6], (N_CLS, 1, CTX_DIM), dtype=jnp.float32)
    token_suffix = 0.02 * jax.random.normal(ks[7], (N_CLS, SEQ_LEN - 1 - N_CTX, CTX_DIM), dtype=jnp.float32)
    tokenized_prompts = jax.random.randint(ks[8], (N_CLS, SEQ_LEN), 0, 49408).astype(jnp.int32)
    return dict(rad=rad, shared=shared, ctx_g=ctx_g, ctx_c=ctx_c, Ws_w=Ws_w, Ws_b=Ws_b, w_gate=w_gate, token_prefix=token_prefix, token_suffix=token_suffix, tokenized_prompts=tokenized_prompts)


def reference(rad, shared, ctx_g, ctx_c, Ws_w, Ws_b, w_gate, token_prefix, token_suffix, tokenized_prompts):
    ctx_s = shared @ Ws_w.T + Ws_b
    logits = rad @ w_gate
    top_vals, top_idx = jax.lax.top_k(logits, TOP_K)
    top_gates = jax.nn.softmax(top_vals, axis=-1)
    b = rad.shape[0]
    gates = jnp.zeros_like(logits).at[jnp.arange(b)[:, None], top_idx].set(top_gates)
    importance = gates.sum(axis=0)
    aux_loss = cv_squared(importance)
    ctx_c_r = ctx_c.reshape(N_EXPERTS, -1)
    ctx_c_mix = jnp.einsum('be,eh->bh', gates, ctx_c_r).reshape(-1, CTX_DIM)
    ctx_g_e = jnp.broadcast_to(ctx_g[None, :, :], (N_CLS, ctx_g.shape[0], CTX_DIM))
    ctx_s_e = jnp.broadcast_to(ctx_s[None, :, :], (N_CLS, ctx_s.shape[0], CTX_DIM))
    ctx_c_e = jnp.broadcast_to(ctx_c_mix[None, :, :], (N_CLS, ctx_c_mix.shape[0], CTX_DIM))
    prompts = jnp.concatenate([token_prefix, ctx_g_e, ctx_c_e, ctx_s_e, token_suffix], axis=1)
    return (prompts, tokenized_prompts, aux_loss)

if __name__ == "__main__":
    import jax
    _d = setup_inputs()
    print(jax.jit(kernel)(*tuple(_d.values())))

</pallas_src>

<mosaic_0001>
#map = affine_map<(d0, d1) -> (0, 0)>
#map1 = affine_map<(d0, d1) -> (0)>
module attributes {stable_mosaic.version = 14 : i64} {
  func.func @_mix_body(%arg0: i32, %arg1: i32, %arg2: memref<960x768xf32, #tpu.memory_space<hbm>>, %arg3: memref<16xi32, #tpu.memory_space<hbm>>, %arg4: memref<4x16xf32, #tpu.memory_space<hbm>>, %arg5: memref<11520xf32, #tpu.memory_space<hbm>>, %arg6: memref<16xi32, #tpu.memory_space<vmem>>, %arg7: memref<4x16xf32, #tpu.memory_space<vmem>>, %arg8: memref<16xi32, #tpu.memory_space<vmem>>, %arg9: memref<4x768xf32, #tpu.memory_space<vmem>>, %arg10: memref<768xf32, #tpu.memory_space<vmem>>, %arg11: memref<!tpu.dma_semaphore, #tpu.memory_space<semaphore_mem>>) attributes {dimension_semantics = [#tpu.dimension_semantics<core_parallel>, #tpu.dimension_semantics<subcore_parallel>], iteration_bounds = array<i64: 2, 16>, scalar_prefetch = 0 : i64, scratch_operands = 6 : i64, tpu.core_type = #tpu.core_type<sc_vector_subcore>, window_params = [{transform_indices = #map}, {transform_indices = #map1}, {transform_indices = #map}, {transform_indices = #map1}]} {
    %mul3A = arith.constant 16 : i32
    %mul3A_0 = arith.muli %arg0, %mul3A : i32
    %add3A = arith.addi %mul3A_0, %arg1 : i32
    %lt3A = arith.constant 15 : i32
    %lt3A_1 = arith.cmpi slt, %add3A, %lt3A : i32
    %convert_element_type3A = arith.extui %lt3A_1 : i1 to i32
    %cond3A = arith.constant 0 : i32
    %cond3A_2 = arith.cmpi ne, %convert_element_type3A, %cond3A : i32
    scf.if %cond3A_2 {
      "tpu.region"() ({
        %run_scoped3A = tpu.sem_alloc : memref<!tpu.dma_semaphore, #tpu.memory_space<semaphore_mem>>
        tpu.enqueue_dma source(%arg3 : memref<16xi32, #tpu.memory_space<hbm>>) target(%arg6 : memref<16xi32, #tpu.memory_space<vmem>>) target_semaphore(%run_scoped3A : memref<!tpu.dma_semaphore, #tpu.memory_space<semaphore_mem>>)
        tpu.wait_dma2 semaphore(%run_scoped3A : memref<!tpu.dma_semaphore, #tpu.memory_space<semaphore_mem>>) src(%arg3 : memref<16xi32, #tpu.memory_space<hbm>>) dst(%arg6 : memref<16xi32, #tpu.memory_space<vmem>>)
        tpu.yield
      }) : () -> ()
      "tpu.region"() ({
        %run_scoped3A = tpu.sem_alloc : memref<!tpu.dma_semaphore, #tpu.memory_space<semaphore_mem>>
        tpu.enqueue_dma source(%arg4 : memref<4x16xf32, #tpu.memory_space<hbm>>) target(%arg7 : memref<4x16xf32, #tpu.memory_space<vmem>>) target_semaphore(%run_scoped3A : memref<!tpu.dma_semaphore, #tpu.memory_space<semaphore_mem>>)
        tpu.wait_dma2 semaphore(%run_scoped3A : memref<!tpu.dma_semaphore, #tpu.memory_space<semaphore_mem>>) src(%arg4 : memref<4x16xf32, #tpu.memory_space<hbm>>) dst(%arg7 : memref<4x16xf32, #tpu.memory_space<vmem>>)
        tpu.yield
      }) : () -> ()
      %get3A = arith.constant 0 : index
      %get3A_3 = tpu.vector_load %arg6[%get3A] {strides = array<i32>} : memref<16xi32, #tpu.memory_space<vmem>>, vector<16xi32>,
      %get3A_4 = vector.shape_cast %get3A_3 : vector<16xi32> to vector<16xi32>
      %mul3A_5 = arith.constant 15 : i32
      %mul3A_6 = vector.broadcast %mul3A_5 : i32 to vector<16xi32>
      %mul3A_7 = arith.muli %get3A_4, %mul3A_6 : vector<16xi32>
      %broadcast_in_dim3A = vector.broadcast %add3A : i32 to vector<16xi32>
      %add3A_8 = arith.addi %mul3A_7, %broadcast_in_dim3A : vector<16xi32>
      %swap3A = arith.constant 0 : index
      %swap3A_9 = tpu.vector_load %arg8[%swap3A] {strides = array<i32>} : memref<16xi32, #tpu.memory_space<vmem>>, vector<16xi32>,
      %swap3A_10 = vector.shape_cast %swap3A_9 : vector<16xi32> to vector<16xi32>
      %swap3A_11 = vector.shape_cast %add3A_8 : vector<16xi32> to vector<16xi32>
      tpu.vector_store %arg8[%swap3A], %swap3A_11 {strides = array<i32>} : memref<16xi32, #tpu.memory_space<vmem>>, vector<16xi32>,
      %dma_start3A = arith.constant 0 : i32
      %dma_start3A_12 = tpu.memref_slice %arg8[%dma_start3A] : memref<16xi32, #tpu.memory_space<vmem>> -> memref<4xi32, #tpu.memory_space<vmem>>
      %dma_start3A_13 = arith.constant 0 : i32
      %dma_start3A_14 = arith.constant 0 : i32
      %dma_start3A_15 = tpu.memref_slice %arg2[%dma_start3A_13, %dma_start3A_14] : memref<960x768xf32, #tpu.memory_space<hbm>> -> memref<960x768xf32, #tpu.memory_space<hbm>>
      tpu.enqueue_indirect_dma source(%dma_start3A_15 : memref<960x768xf32, #tpu.memory_space<hbm>>) target(%arg9 : memref<4x768xf32, #tpu.memory_space<vmem>>) offsets(%dma_start3A_12 : memref<4xi32, #tpu.memory_space<vmem>>) semaphore(%arg11 : memref<!tpu.dma_semaphore, #tpu.memory_space<semaphore_mem>>)
      %dma_wait3A = arith.constant 0 : i32
      %dma_wait3A_16 = tpu.memref_slice %arg8[%dma_wait3A] : memref<16xi32, #tpu.memory_space<vmem>> -> memref<4xi32, #tpu.memory_space<vmem>>
      %dma_wait3A_17 = arith.constant 0 : i32
      %dma_wait3A_18 = arith.constant 0 : i32
      %dma_wait3A_19 = tpu.memref_slice %arg2[%dma_wait3A_17, %dma_wait3A_18] : memref<960x768xf32, #tpu.memory_space<hbm>> -> memref<960x768xf32, #tpu.memory_space<hbm>>
      tpu.wait_indirect_dma semaphore(%arg11 : memref<!tpu.dma_semaphore, #tpu.memory_space<semaphore_mem>>) src(%dma_wait3A_19 : memref<960x768xf32, #tpu.memory_space<hbm>>) dst(%arg9 : memref<4x768xf32, #tpu.memory_space<vmem>>)
      %get3A_20 = arith.constant 0 : i32
      %get3A_21 = arith.index_cast %get3A_20 : i32 to index
      %get3A_22 = arith.constant 0 : index
      %get3A_23 = tpu.vector_load %arg7[%get3A_21, %get3A_22] {strides = array<i32>} : memref<4x16xf32, #tpu.memory_space<vmem>>, vector<1x16xf32>,
      %get3A_24 = vector.shape_cast %get3A_23 : vector<1x16xf32> to vector<16xf32>
      %get3A_25 = arith.constant 1 : i32
      %get3A_26 = arith.index_cast %get3A_25 : i32 to index
      %get3A_27 = arith.constant 0 : index
      %get3A_28 = tpu.vector_load %arg7[%get3A_26, %get3A_27] {strides = array<i32>} : memref<4x16xf32, #tpu.memory_space<vmem>>, vector<1x16xf32>,
      %get3A_29 = vector.shape_cast %get3A_28 : vector<1x16xf32> to vector<16xf32>
      %get3A_30 = arith.constant 2 : i32
      %get3A_31 = arith.index_cast %get3A_30 : i32 to index
      %get3A_32 = arith.constant 0 : index
      %get3A_33 = tpu.vector_load %arg7[%get3A_31, %get3A_32] {strides = array<i32>} : memref<4x16xf32, #tpu.memory_space<vmem>>, vector<1x16xf32>,
      %get3A_34 = vector.shape_cast %get3A_33 : vector<1x16xf32> to vector<16xf32>
      %get3A_35 = arith.constant 3 : i32
      %get3A_36 = arith.index_cast %get3A_35 : i32 to index
      %get3A_37 = arith.constant 0 : index
      %get3A_38 = tpu.vector_load %arg7[%get3A_36, %get3A_37] {strides = array<i32>} : memref<4x16xf32, #tpu.memory_space<vmem>>, vector<1x16xf32>,
      %get3A_39 = vector.shape_cast %get3A_38 : vector<1x16xf32> to vector<16xf32>
      %get3A_40 = arith.constant 0 : i32
      %get3A_41 = arith.index_cast %get3A_40 : i32 to index
      %get3A_42 = arith.constant 0 : index
      %get3A_43 = tpu.vector_load %arg9[%get3A_41, %get3A_42] {strides = array<i32>} : memref<4x768xf32, #tpu.memory_space<vmem>>, vector<1x16xf32>,
      %get3A_44 = vector.shape_cast %get3A_43 : vector<1x16xf32> to vector<16xf32>
      %mul3A_45 = arith.mulf %get3A_24, %get3A_44 : vector<16xf32>
      %get3A_46 = arith.constant 1 : i32
      %get3A_47 = arith.index_cast %get3A_46 : i32 to index
      %get3A_48 = arith.constant 0 : index
      %get3A_49 = tpu.vector_load %arg9[%get3A_47, %get3A_48] {strides = array<i32>} : memref<4x768xf32, #tpu.memory_space<vmem>>, vector<1x16xf32>,
      %get3A_50 = vector.shape_cast %get3A_49 : vector<1x16xf32> to vector<16xf32>
      %mul3A_51 = arith.mulf %get3A_29, %get3A_50 : vector<16xf32>
      %add3A_52 = arith.addf %mul3A_45, %mul3A_51 : vector<16xf32>
      %get3A_53 = arith.constant 2 : i32
      %get3A_54 = arith.index_cast %get3A_53 : i32 to index
      %get3A_55 = arith.constant 0 : index
      %get3A_56 = tpu.vector_load %arg9[%get3A_54, %get3A_55] {strides = array<i32>} : memref<4x768xf32, #tpu.memory_space<vmem>>, vector<1x16xf32>,
      %get3A_57 = vector.shape_cast %get3A_56 : vector<1x16xf32> to vector<16xf32>
      %mul3A_58 = arith.mulf %get3A_34, %get3A_57 : vector<16xf32>
      %add3A_59 = arith.addf %add3A_52, %mul3A_58 : vector<16xf32>
      %get3A_60 = arith.constant 3 : i32
      %get3A_61 = arith.index_cast %get3A_60 : i32 to index
      %get3A_62 = arith.constant 0 : index
      %get3A_63 = tpu.vector_load %arg9[%get3A_61, %get3A_62] {strides = array<i32>} : memref<4x768xf32, #tpu.memory_space<vmem>>, vector<1x16xf32>,
      %get3A_64 = vector.shape_cast %get3A_63 : vector<1x16xf32> to vector<16xf32>
      %mul3A_65 = arith.mulf %get3A_39, %get3A_64 : vector<16xf32>
      %add3A_66 = arith.addf %add3A_59, %mul3A_65 : vector<16xf32>
      %swap3A_67 = arith.constant 0 : index
      %swap3A_68 = tpu.vector_load %arg10[%swap3A_67] {strides = array<i32>} : memref<768xf32, #tpu.memory_space<vmem>>, vector<16xf32>,
      %swap3A_69 = vector.shape_cast %swap3A_68 : vector<16xf32> to vector<16xf32>
      %swap3A_70 = vector.shape_cast %add3A_66 : vector<16xf32> to vector<16xf32>
      tpu.vector_store %arg10[%swap3A_67], %swap3A_70 {strides = array<i32>} : memref<768xf32, #tpu.memory_space<vmem>>, vector<16xf32>,
      %get3A_71 = arith.constant 0 : i32
      %get3A_72 = arith.index_cast %get3A_71 : i32 to index
      %get3A_73 = arith.constant 16 : index
      %get3A_74 = tpu.vector_load %arg9[%get3A_72, %get3A_73] {strides = array<i32>} : memref<4x768xf32, #tpu.memory_space<vmem>>, vector<1x16xf32>,
      %get3A_75 = vector.shape_cast %get3A_74 : vector<1x16xf32> to vector<16xf32>
      %mul3A_76 = arith.mulf %get3A_24, %get3A_75 : vector<16xf32>
      %get3A_77 = arith.constant 1 : i32
      %get3A_78 = arith.index_cast %get3A_77 : i32 to index
      %get3A_79 = arith.constant 16 : index
      %get3A_80 = tpu.vector_load %arg9[%get3A_78, %get3A_79] {strides = array<i32>} : memref<4x768xf32, #tpu.memory_space<vmem>>, vector<1x16xf32>,
      %get3A_81 = vector.shape_cast %get3A_80 : vector<1x16xf32> to vector<16xf32>
      %mul3A_82 = arith.mulf %get3A_29, %get3A_81 : vector<16xf32>
      %add3A_83 = arith.addf %mul3A_76, %mul3A_82 : vector<16xf32>
      %get3A_84 = arith.constant 2 : i32
      %get3A_85 = arith.index_cast %get3A_84 : i32 to index
      %get3A_86 = arith.constant 16 : index
      %get3A_87 = tpu.vector_load %arg9[%get3A_85, %get3A_86] {strides = array<i32>} : memref<4x768xf32, #tpu.memory_space<vmem>>, vector<1x16xf32>,
      %get3A_88 = vector.shape_cast %get3A_87 : vector<1x16xf32> to vector<16xf32>
      %mul3A_89 = arith.mulf %get3A_34, %get3A_88 : vector<16xf32>
      %add3A_90 = arith.addf %add3A_83, %mul3A_89 : vector<16xf32>
      %get3A_91 = arith.constant 3 : i32
      %get3A_92 = arith.index_cast %get3A_91 : i32 to index
      %get3A_93 = arith.constant 16 : index
      %get3A_94 = tpu.vector_load %arg9[%get3A_92, %get3A_93] {strides = array<i32>} : memref<4x768xf32, #tpu.memory_space<vmem>>, vector<1x16xf32>,
      %get3A_95 = vector.shape_cast %get3A_94 : vector<1x16xf32> to vector<16xf32>
      %mul3A_96 = arith.mulf %get3A_39, %get3A_95 : vector<16xf32>
      %add3A_97 = arith.addf %add3A_90, %mul3A_96 : vector<16xf32>
      %swap3A_98 = arith.constant 16 : index
      %swap3A_99 = tpu.vector_load %arg10[%swap3A_98] {strides = array<i32>} : memref<768xf32, #tpu.memory_space<vmem>>, vector<16xf32>,
      %swap3A_100 = vector.shape_cast %swap3A_99 : vector<16xf32> to vector<16xf32>
      %swap3A_101 = vector.shape_cast %add3A_97 : vector<16xf32> to vector<16xf32>
      tpu.vector_store %arg10[%swap3A_98], %swap3A_101 {strides = array<i32>} : memref<768xf32, #tpu.memory_space<vmem>>, vector<16xf32>,
      %get3A_102 = arith.constant 0 : i32
      %get3A_103 = arith.index_cast %get3A_102 : i32 to index
      %get3A_104 = arith.constant 32 : index
      %get3A_105 = tpu.vector_load %arg9[%get3A_103, %get3A_104] {strides = array<i32>} : memref<4x768xf32, #tpu.memory_space<vmem>>, vector<1x16xf32>,
      %get3A_106 = vector.shape_cast %get3A_105 : vector<1x16xf32> to vector<16xf32>
      %mul3A_107 = arith.mulf %get3A_24, %get3A_106 : vector<16xf32>
      %get3A_108 = arith.constant 1 : i32
      %get3A_109 = arith.index_cast %get3A_108 : i32 to index
      %get3A_110 = arith.constant 32 : index
      %get3A_111 = tpu.vector_load %arg9[%get3A_109, %get3A_110] {strides = array<i32>} : memref<4x768xf32, #tpu.memory_space<vmem>>, vector<1x16xf32>,
      %get3A_112 = vector.shape_cast %get3A_111 : vector<1x16xf32> to vector<16xf32>
      %mul3A_113 = arith.mulf %get3A_29, %get3A_112 : vector<16xf32>
      %add3A_114 = arith.addf %mul3A_107, %mul3A_113 : vector<16xf32>
      %get3A_115 = arith.constant 2 : i32
      %get3A_116 = arith.index_cast %get3A_115 : i32 to index
      %get3A_117 = arith.constant 32 : index
      %get3A_118 = tpu.vector_load %arg9[%get3A_116, %get3A_117] {strides = array<i32>} : memref<4x768xf32, #tpu.memory_space<vmem>>, vector<1x16xf32>,
      %get3A_119 = vector.shape_cast %get3A_118 : vector<1x16xf32> to vector<16xf32>
      %mul3A_120 = arith.mulf %get3A_34, %get3A_119 : vector<16xf32>
      %add3A_121 = arith.addf %add3A_114, %mul3A_120 : vector<16xf32>
      %get3A_122 = arith.constant 3 : i32
      %get3A_123 = arith.index_cast %get3A_122 : i32 to index
      %get3A_124 = arith.constant 32 : index
      %get3A_125 = tpu.vector_load %arg9[%get3A_123, %get3A_124] {strides = array<i32>} : memref<4x768xf32, #tpu.memory_space<vmem>>, vector<1x16xf32>,
      %get3A_126 = vector.shape_cast %get3A_125 : vector<1x16xf32> to vector<16xf32>
      %mul3A_127 = arith.mulf %get3A_39, %get3A_126 : vector<16xf32>
      %add3A_128 = arith.addf %add3A_121, %mul3A_127 : vector<16xf32>
      %swap3A_129 = arith.constant 32 : index
      %swap3A_130 = tpu.vector_load %arg10[%swap3A_129] {strides = array<i32>} : memref<768xf32, #tpu.memory_space<vmem>>, vector<16xf32>,
      %swap3A_131 = vector.shape_cast %swap3A_130 : vector<16xf32> to vector<16xf32>
      %swap3A_132 = vector.shape_cast %add3A_128 : vector<16xf32> to vector<16xf32>
      tpu.vector_store %arg10[%swap3A_129], %swap3A_132 {strides = array<i32>} : memref<768xf32, #tpu.memory_space<vmem>>, vector<16xf32>,
      %get3A_133 = arith.constant 0 : i32
      %get3A_134 = arith.index_cast %get3A_133 : i32 to index
      %get3A_135 = arith.constant 48 : index
      %get3A_136 = tpu.vector_load %arg9[%get3A_134, %get3A_135] {strides = array<i32>} : memref<4x768xf32, #tpu.memory_space<vmem>>, vector<1x16xf32>,
      %get3A_137 = vector.shape_cast %get3A_136 : vector<1x16xf32> to vector<16xf32>
      %mul3A_138 = arith.mulf %get3A_24, %get3A_137 : vector<16xf32>
      %get3A_139 = arith.constant 1 : i32
      %get3A_140 = arith.index_cast %get3A_139 : i32 to index
      %get3A_141 = arith.constant 48 : index
      %get3A_142 = tpu.vector_load %arg9[%get3A_140, %get3A_141] {strides = array<i32>} : memref<4x768xf32, #tpu.memory_space<vmem>>, vector<1x16xf32>,
      %get3A_143 = vector.shape_cast %get3A_142 : vector<1x16xf32> to vector<16xf32>
      %mul3A_144 = arith.mulf %get3A_29, %get3A_143 : vector<16xf32>
      %add3A_145 = arith.addf %mul3A_138, %mul3A_144 : vector<16xf32>
      %get3A_146 = arith.constant 2 : i32
      %get3A_147 = arith.index_cast %get3A_146 : i32 to index
      %get3A_148 = arith.constant 48 : index
      %get3A_149 = tpu.vector_load %arg9[%get3A_147, %get3A_148] {strides = array<i32>} : memref<4x768xf32, #tpu.memory_space<vmem>>, vector<1x16xf32>,
      %get3A_150 = vector.shape_cast %get3A_149 : vector<1x16xf32> to vector<16xf32>
      %mul3A_151 = arith.mulf %get3A_34, %get3A_150 : vector<16xf32>
      %add3A_152 = arith.addf %add3A_145, %mul3A_151 : vector<16xf32>
      %get3A_153 = arith.constant 3 : i32
      %get3A_154 = arith.index_cast %get3A_153 : i32 to index
      %get3A_155 = arith.constant 48 : index
      %get3A_156 = tpu.vector_load %arg9[%get3A_154, %get3A_155] {strides = array<i32>} : memref<4x768xf32, #tpu.memory_space<vmem>>, vector<1x16xf32>,
      %get3A_157 = vector.shape_cast %get3A_156 : vector<1x16xf32> to vector<16xf32>
      %mul3A_158 = arith.mulf %get3A_39, %get3A_157 : vector<16xf32>
      %add3A_159 = arith.addf %add3A_152, %mul3A_158 : vector<16xf32>
      %swap3A_160 = arith.constant 48 : index
      %swap3A_161 = tpu.vector_load %arg10[%swap3A_160] {strides = array<i32>} : memref<768xf32, #tpu.memory_space<vmem>>, vector<16xf32>,
      %swap3A_162 = vector.shape_cast %swap3A_161 : vector<16xf32> to vector<16xf32>
      %swap3A_163 = vector.shape_cast %add3A_159 : vector<16xf32> to vector<16xf32>
      tpu.vector_store %arg10[%swap3A_160], %swap3A_163 {strides = array<i32>} : memref<768xf32, #tpu.memory_space<vmem>>, vector<16xf32>,
      %get3A_164 = arith.constant 0 : i32
      %get3A_165 = arith.index_cast %get3A_164 : i32 to index
      %get3A_166 = arith.constant 64 : index
      %get3A_167 = tpu.vector_load %arg9[%get3A_165, %get3A_166] {strides = array<i32>} : memref<4x768xf32, #tpu.memory_space<vmem>>, vector<1x16xf32>,
      %get3A_168 = vector.shape_cast %get3A_167 : vector<1x16xf32> to vector<16xf32>
      %mul3A_169 = arith.mulf %get3A_24, %get3A_168 : vector<16xf32>
      %get3A_170 = arith.constant 1 : i32
      %get3A_171 = arith.index_cast %get3A_170 : i32 to index
      %get3A_172 = arith.constant 64 : index
      %get3A_173 = tpu.vector_load %arg9[%get3A_171, %get3A_172] {strides = array<i32>} : memref<4x768xf32, #tpu.memory_space<vmem>>, vector<1x16xf32>,
      %get3A_174 = vector.shape_cast %get3A_173 : vector<1x16xf32> to vector<16xf32>
      %mul3A_175 = arith.mulf %get3A_29, %get3A_174 : vector<16xf32>
      %add3A_176 = arith.addf %mul3A_169, %mul3A_175 : vector<16xf32>
      %get3A_177 = arith.constant 2 : i32
      %get3A_178 = arith.index_cast %get3A_177 : i32 to index
      %get3A_179 = arith.constant 64 : index
      %get3A_180 = tpu.vector_load %arg9[%get3A_178, %get3A_179] {strides = array<i32>} : memref<4x768xf32, #tpu.memory_space<vmem>>, vector<1x16xf32>,
      %get3A_181 = vector.shape_cast %get3A_180 : vector<1x16xf32> to vector<16xf32>
      %mul3A_182 = arith.mulf %get3A_34, %get3A_181 : vector<16xf32>
      %add3A_183 = arith.addf %add3A_176, %mul3A_182 : vector<16xf32>
      %get3A_184 = arith.constant 3 : i32
      %get3A_185 = arith.index_cast %get3A_184 : i32 to index
      %get3A_186 = arith.constant 64 : index
      %get3A_187 = tpu.vector_load %arg9[%get3A_185, %get3A_186] {strides = array<i32>} : memref<4x768xf32, #tpu.memory_space<vmem>>, vector<1x16xf32>,
      %get3A_188 = vector.shape_cast %get3A_187 : vector<1x16xf32> to vector<16xf32>
      %mul3A_189 = arith.mulf %get3A_39, %get3A_188 : vector<16xf32>
      %add3A_190 = arith.addf %add3A_183, %mul3A_189 : vector<16xf32>
      %swap3A_191 = arith.constant 64 : index
      %swap3A_192 = tpu.vector_load %arg10[%swap3A_191] {strides = array<i32>} : memref<768xf32, #tpu.memory_space<vmem>>, vector<16xf32>,
      %swap3A_193 = vector.shape_cast %swap3A_192 : vector<16xf32> to vector<16xf32>
      %swap3A_194 = vector.shape_cast %add3A_190 : vector<16xf32> to vector<16xf32>
      tpu.vector_store %arg10[%swap3A_191], %swap3A_194 {strides = array<i32>} : memref<768xf32, #tpu.memory_space<vmem>>, vector<16xf32>,
      %get3A_195 = arith.constant 0 : i32
      %get3A_196 = arith.index_cast %get3A_195 : i32 to index
      %get3A_197 = arith.constant 80 : index
      %get3A_198 = tpu.vector_load %arg9[%get3A_196, %get3A_197] {strides = array<i32>} : memref<4x768xf32, #tpu.memory_space<vmem>>, vector<1x16xf32>,
      %get3A_199 = vector.shape_cast %get3A_198 : vector<1x16xf32> to vector<16xf32>
      %mul3A_200 = arith.mulf %get3A_24, %get3A_199 : vector<16xf32>
      %get3A_201 = arith.constant 1 : i32
      %get3A_202 = arith.index_cast %get3A_201 : i32 to index
      %get3A_203 = arith.constant 80 : index
      %get3A_204 = tpu.vector_load %arg9[%get3A_202, %get3A_203] {strides = array<i32>} : memref<4x768xf32, #tpu.memory_space<vmem>>, vector<1x16xf32>,
      %get3A_205 = vector.shape_cast %get3A_204 : vector<1x16xf32> to vector<16xf32>
      %mul3A_206 = arith.mulf %get3A_29, %get3A_205 : vector<16xf32>
      %add3A_207 = arith.addf %mul3A_200, %mul3A_206 : vector<16xf32>
      %get3A_208 = arith.constant 2 : i32
      %get3A_209 = arith.index_cast %get3A_208 : i32 to index
      %get3A_210 = arith.constant 80 : index
      %get3A_211 = tpu.vector_load %arg9[%get3A_209, %get3A_210] {strides = array<i32>} : memref<4x768xf32, #tpu.memory_space<vmem>>, vector<1x16xf32>,
      %get3A_212 = vector.shape_cast %get3A_211 : vector<1x16xf32> to vector<16xf32>
      %mul3A_213 = arith.mulf %get3A_34, %get3A_212 : vector<16xf32>
      %add3A_214 = arith.addf %add3A_207, %mul3A_213 : vector<16xf32>
      %get3A_215 = arith.constant 3 : i32
      %get3A_216 = arith.index_cast %get3A_215 : i32 to index
      %get3A_217 = arith.constant 80 : index
      %get3A_218 = tpu.vector_load %arg9[%get3A_216, %get3A_217] {strides = array<i32>} : memref<4x768xf32, #tpu.memory_space<vmem>>, vector<1x16xf32>,
      %get3A_219 = vector.shape_cast %get3A_218 : vector<1x16xf32> to vector<16xf32>
      %mul3A_220 = arith.mulf %get3A_39, %get3A_219 : vector<16xf32>
      %add3A_221 = arith.addf %add3A_214, %mul3A_220 : vector<16xf32>
      %swap3A_222 = arith.constant 80 : index
      %swap3A_223 = tpu.vector_load %arg10[%swap3A_222] {strides = array<i32>} : memref<768xf32, #tpu.memory_space<vmem>>, vector<16xf32>,
      %swap3A_224 = vector.shape_cast %swap3A_223 : vector<16xf32> to vector<16xf32>
      %swap3A_225 = vector.shape_cast %add3A_221 : vector<16xf32> to vector<16xf32>
      tpu.vector_store %arg10[%swap3A_222], %swap3A_225 {strides = array<i32>} : memref<768xf32, #tpu.memory_space<vmem>>, vector<16xf32>,
      %get3A_226 = arith.constant 0 : i32
      %get3A_227 = arith.index_cast %get3A_226 : i32 to index
      %get3A_228 = arith.constant 96 : index
      %get3A_229 = tpu.vector_load %arg9[%get3A_227, %get3A_228] {strides = array<i32>} : memref<4x768xf32, #tpu.memory_space<vmem>>, vector<1x16xf32>,
      %get3A_230 = vector.shape_cast %get3A_229 : vector<1x16xf32> to vector<16xf32>
      %mul3A_231 = arith.mulf %get3A_24, %get3A_230 : vector<16xf32>
      %get3A_232 = arith.constant 1 : i32
      %get3A_233 = arith.index_cast %get3A_232 : i32 to index
      %get3A_234 = arith.constant 96 : index
      %get3A_235 = tpu.vector_load %arg9[%get3A_233, %get3A_234] {strides = array<i32>} : memref<4x768xf32, #tpu.memory_space<vmem>>, vector<1x16xf32>,
      %get3A_236 = vector.shape_cast %get3A_235 : vector<1x16xf32> to vector<16xf32>
      %mul3A_237 = arith.mulf %get3A_29, %get3A_236 : vector<16xf32>
      %add3A_238 = arith.addf %mul3A_231, %mul3A_237 : vector<16xf32>
      %get3A_239 = arith.constant 2 : i32
      %get3A_240 = arith.index_cast %get3A_239 : i32 to index
      %get3A_241 = arith.constant 96 : index
      %get3A_242 = tpu.vector_load %arg9[%get3A_240, %get3A_241] {strides = array<i32>} : memref<4x768xf32, #tpu.memory_space<vmem>>, vector<1x16xf32>,
      %get3A_243 = vector.shape_cast %get3A_242 : vector<1x16xf32> to vector<16xf32>
      %mul3A_244 = arith.mulf %get3A_34, %get3A_243 : vector<16xf32>
      %add3A_245 = arith.addf %add3A_238, %mul3A_244 : vector<16xf32>
      %get3A_246 = arith.constant 3 : i32
      %get3A_247 = arith.index_cast %get3A_246 : i32 to index
      %get3A_248 = arith.constant 96 : index
      %get3A_249 = tpu.vector_load %arg9[%get3A_247, %get3A_248] {strides = array<i32>} : memref<4x768xf32, #tpu.memory_space<vmem>>, vector<1x16xf32>,
      %get3A_250 = vector.shape_cast %get3A_249 : vector<1x16xf32> to vector<16xf32>
      %mul3A_251 = arith.mulf %get3A_39, %get3A_250 : vector<16xf32>
      %add3A_252 = arith.addf %add3A_245, %mul3A_251 : vector<16xf32>
      %swap3A_253 = arith.constant 96 : index
      %swap3A_254 = tpu.vector_load %arg10[%swap3A_253] {strides = array<i32>} : memref<768xf32, #tpu.memory_space<vmem>>, vector<16xf32>,
      %swap3A_255 = vector.shape_cast %swap3A_254 : vector<16xf32> to vector<16xf32>
      %swap3A_256 = vector.shape_cast %add3A_252 : vector<16xf32> to vector<16xf32>
      tpu.vector_store %arg10[%swap3A_253], %swap3A_256 {strides = array<i32>} : memref<768xf32, #tpu.memory_space<vmem>>, vector<16xf32>,
      %get3A_257 = arith.constant 0 : i32
      %get3A_258 = arith.index_cast %get3A_257 : i32 to index
      %get3A_259 = arith.constant 112 : index
      %get3A_260 = tpu.vector_load %arg9[%get3A_258, %get3A_259] {strides = array<i32>} : memref<4x768xf32, #tpu.memory_space<vmem>>, vector<1x16xf32>,
      %get3A_261 = vector.shape_cast %get3A_260 : vector<1x16xf32> to vector<16xf32>
      %mul3A_262 = arith.mulf %get3A_24, %get3A_261 : vector<16xf32>
      %get3A_263 = arith.constant 1 : i32
      %get3A_264 = arith.index_cast %get3A_263 : i32 to index
      %get3A_265 = arith.constant 112 : index
      %get3A_266 = tpu.vector_load %arg9[%get3A_264, %get3A_265] {strides = array<i32>} : memref<4x768xf32, #tpu.memory_space<vmem>>, vector<1x16xf32>,
      %get3A_267 = vector.shape_cast %get3A_266 : vector<1x16xf32> to vector<16xf32>
      %mul3A_268 = arith.mulf %get3A_29, %get3A_267 : vector<16xf32>
      %add3A_269 = arith.addf %mul3A_262, %mul3A_268 : vector<16xf32>
      %get3A_270 = arith.constant 2 : i32
      %get3A_271 = arith.index_cast %get3A_270 : i32 to index
      %get3A_272 = arith.constant 112 : index
      %get3A_273 = tpu.vector_load %arg9[%get3A_271, %get3A_272] {strides = array<i32>} : memref<4x768xf32, #tpu.memory_space<vmem>>, vector<1x16xf32>,
      %get3A_274 = vector.shape_cast %get3A_273 : vector<1x16xf32> to vector<16xf32>
      %mul3A_275 = arith.mulf %get3A_34, %get3A_274 : vector<16xf32>
      %add3A_276 = arith.addf %add3A_269, %mul3A_275 : vector<16xf32>
      %get3A_277 = arith.constant 3 : i32
      %get3A_278 = arith.index_cast %get3A_277 : i32 to index
      %get3A_279 = arith.constant 112 : index
      %get3A_280 = tpu.vector_load %arg9[%get3A_278, %get3A_279] {strides = array<i32>} : memref<4x768xf32, #tpu.memory_space<vmem>>, vector<1x16xf32>,
      %get3A_281 = vector.shape_cast %get3A_280 : vector<1x16xf32> to vector<16xf32>
      %mul3A_282 = arith.mulf %get3A_39, %get3A_281 : vector<16xf32>
      %add3A_283 = arith.addf %add3A_276, %mul3A_282 : vector<16xf32>
      %swap3A_284 = arith.constant 112 : index
      %swap3A_285 = tpu.vector_load %arg10[%swap3A_284] {strides = array<i32>} : memref<768xf32, #tpu.memory_space<vmem>>, vector<16xf32>,
      %swap3A_286 = vector.shape_cast %swap3A_285 : vector<16xf32> to vector<16xf32>
      %swap3A_287 = vector.shape_cast %add3A_283 : vector<16xf32> to vector<16xf32>
      tpu.vector_store %arg10[%swap3A_284], %swap3A_287 {strides = array<i32>} : memref<768xf32, #tpu.memory_space<vmem>>, vector<16xf32>,
      %get3A_288 = arith.constant 0 : i32
      %get3A_289 = arith.index_cast %get3A_288 : i32 to index
      %get3A_290 = arith.constant 128 : index
      %get3A_291 = tpu.vector_load %arg9[%get3A_289, %get3A_290] {strides = array<i32>} : memref<4x768xf32, #tpu.memory_space<vmem>>, vector<1x16xf32>,
      %get3A_292 = vector.shape_cast %get3A_291 : vector<1x16xf32> to vector<16xf32>
      %mul3A_293 = arith.mulf %get3A_24, %get3A_292 : vector<16xf32>
      %get3A_294 = arith.constant 1 : i32
      %get3A_295 = arith.index_cast %get3A_294 : i32 to index
      %get3A_296 = arith.constant 128 : index
      %get3A_297 = tpu.vector_load %arg9[%get3A_295, %get3A_296] {strides = array<i32>} : memref<4x768xf32, #tpu.memory_space<vmem>>, vector<1x16xf32>,
      %get3A_298 = vector.shape_cast %get3A_297 : vector<1x16xf32> to vector<16xf32>
      %mul3A_299 = arith.mulf %get3A_29, %get3A_298 : vector<16xf32>
      %add3A_300 = arith.addf %mul3A_293, %mul3A_299 : vector<16xf32>
      %get3A_301 = arith.constant 2 : i32
      %get3A_302 = arith.index_cast %get3A_301 : i32 to index
      %get3A_303 = arith.constant 128 : index
      %get3A_304 = tpu.vector_load %arg9[%get3A_302, %get3A_303] {strides = array<i32>} : memref<4x768xf32, #tpu.memory_space<vmem>>, vector<1x16xf32>,
      %get3A_305 = vector.shape_cast %get3A_304 : vector<1x16xf32> to vector<16xf32>
      %mul3A_306 = arith.mulf %get3A_34, %get3A_305 : vector<16xf32>
      %add3A_307 = arith.addf %add3A_300, %mul3A_306 : vector<16xf32>
      %get3A_308 = arith.constant 3 : i32
      %get3A_309 = arith.index_cast %get3A_308 : i32 to index
      %get3A_310 = arith.constant 128 : index
      %get3A_311 = tpu.vector_load %arg9[%get3A_309, %get3A_310] {strides = array<i32>} : memref<4x768xf32, #tpu.memory_space<vmem>>, vector<1x16xf32>,
      %get3A_312 = vector.shape_cast %get3A_311 : vector<1x16xf32> to vector<16xf32>
      %mul3A_313 = arith.mulf %get3A_39, %get3A_312 : vector<16xf32>
      %add3A_314 = arith.addf %add3A_307, %mul3A_313 : vector<16xf32>
      %swap3A_315 = arith.constant 128 : index
      %swap3A_316 = tpu.vector_load %arg10[%swap3A_315] {strides = array<i32>} : memref<768xf32, #tpu.memory_space<vmem>>, vector<16xf32>,
      %swap3A_317 = vector.shape_cast %swap3A_316 : vector<16xf32> to vector<16xf32>
      %swap3A_318 = vector.shape_cast %add3A_314 : vector<16xf32> to vector<16xf32>
      tpu.vector_store %arg10[%swap3A_315], %swap3A_318 {strides = array<i32>} : memref<768xf32, #tpu.memory_space<vmem>>, vector<16xf32>,
      %get3A_319 = arith.constant 0 : i32
      %get3A_320 = arith.index_cast %get3A_319 : i32 to index
      %get3A_321 = arith.constant 144 : index
      %get3A_322 = tpu.vector_load %arg9[%get3A_320, %get3A_321] {strides = array<i32>} : memref<4x768xf32, #tpu.memory_space<vmem>>, vector<1x16xf32>,
      %get3A_323 = vector.shape_cast %get3A_322 : vector<1x16xf32> to vector<16xf32>
      %mul3A_324 = arith.mulf %get3A_24, %get3A_323 : vector<16xf32>
      %get3A_325 = arith.constant 1 : i32
      %get3A_326 = arith.index_cast %get3A_325 : i32 to index
      %get3A_327 = arith.constant 144 : index
      %get3A_328 = tpu.vector_load %arg9[%get3A_326, %get3A_327] {strides = array<i32>} : memref<4x768xf32, #tpu.memory_space<vmem>>, vector<1x16xf32>,
      %get3A_329 = vector.shape_cast %get3A_328 : vector<1x16xf32> to vector<16xf32>
      %mul3A_330 = arith.mulf %get3A_29, %get3A_329 : vector<16xf32>
      %add3A_331 = arith.addf %mul3A_324, %mul3A_330 : vector<16xf32>
      %get3A_332 = arith.constant 2 : i32
      %get3A_333 = arith.index_cast %get3A_332 : i32 to index
      %get3A_334 = arith.constant 144 : index
      %get3A_335 = tpu.vector_load %arg9[%get3A_333, %get3A_334] {strides = array<i32>} : memref<4x768xf32, #tpu.memory_space<vmem>>, vector<1x16xf32>,
      %get3A_336 = vector.shape_cast %get3A_335 : vector<1x16xf32> to vector<16xf32>
      %mul3A_337 = arith.mulf %get3A_34, %get3A_336 : vector<16xf32>
      %add3A_338 = arith.addf %add3A_331, %mul3A_337 : vector<16xf32>
      %get3A_339 = arith.constant 3 : i32
      %get3A_340 = arith.index_cast %get3A_339 : i32 to index
      %get3A_341 = arith.constant 144 : index
      %get3A_342 = tpu.vector_load %arg9[%get3A_340, %get3A_341] {strides = array<i32>} : memref<4x768xf32, #tpu.memory_space<vmem>>, vector<1x16xf32>,
      %get3A_343 = vector.shape_cast %get3A_342 : vector<1x16xf32> to vector<16xf32>
      %mul3A_344 = arith.mulf %get3A_39, %get3A_343 : vector<16xf32>
      %add3A_345 = arith.addf %add3A_338, %mul3A_344 : vector<16xf32>
      %swap3A_346 = arith.constant 144 : index
      %swap3A_347 = tpu.vector_load %arg10[%swap3A_346] {strides = array<i32>} : memref<768xf32, #tpu.memory_space<vmem>>, vector<16xf32>,
      %swap3A_348 = vector.shape_cast %swap3A_347 : vector<16xf32> to vector<16xf32>
      %swap3A_349 = vector.shape_cast %add3A_345 : vector<16xf32> to vector<16xf32>
      tpu.vector_store %arg10[%swap3A_346], %swap3A_349 {strides = array<i32>} : memref<768xf32, #tpu.memory_space<vmem>>, vector<16xf32>,
      %get3A_350 = arith.constant 0 : i32
      %get3A_351 = arith.index_cast %get3A_350 : i32 to index
      %get3A_352 = arith.constant 160 : index
      %get3A_353 = tpu.vector_load %arg9[%get3A_351, %get3A_352] {strides = array<i32>} : memref<4x768xf32, #tpu.memory_space<vmem>>, vector<1x16xf32>,
      %get3A_354 = vector.shape_cast %get3A_353 : vector<1x16xf32> to vector<16xf32>
      %mul3A_355 = arith.mulf %get3A_24, %get3A_354 : vector<16xf32>
      %get3A_356 = arith.constant 1 : i32
      %get3A_357 = arith.index_cast %get3A_356 : i32 to index
      %get3A_358 = arith.constant 160 : index
      %get3A_359 = tpu.vector_load %arg9[%get3A_357, %get3A_358] {strides = array<i32>} : memref<4x768xf32, #tpu.memory_space<vmem>>, vector<1x16xf32>,
      %get3A_360 = vector.shape_cast %get3A_359 : vector<1x16xf32> to vector<16xf32>
      %mul3A_361 = arith.mulf %get3A_29, %get3A_360 : vector<16xf32>
      %add3A_362 = arith.addf %mul3A_355, %mul3A_361 : vector<16xf32>
      %get3A_363 = arith.constant 2 : i32
      %get3A_364 = arith.index_cast %get3A_363 : i32 to index
      %get3A_365 = arith.constant 160 : index
      %get3A_366 = tpu.vector_load %arg9[%get3A_364, %get3A_365] {strides = array<i32>} : memref<4x768xf32, #tpu.memory_space<vmem>>, vector<1x16xf32>,
      %get3A_367 = vector.shape_cast %get3A_366 : vector<1x16xf32> to vector<16xf32>
      %mul3A_368 = arith.mulf %get3A_34, %get3A_367 : vector<16xf32>
      %add3A_369 = arith.addf %add3A_362, %mul3A_368 : vector<16xf32>
      %get3A_370 = arith.constant 3 : i32
      %get3A_371 = arith.index_cast %get3A_370 : i32 to index
      %get3A_372 = arith.constant 160 : index
      %get3A_373 = tpu.vector_load %arg9[%get3A_371, %get3A_372] {strides = array<i32>} : memref<4x768xf32, #tpu.memory_space<vmem>>, vector<1x16xf32>,
      %get3A_374 = vector.shape_cast %get3A_373 : vector<1x16xf32> to vector<16xf32>
      %mul3A_375 = arith.mulf %get3A_39, %get3A_374 : vector<16xf32>
      %add3A_376 = arith.addf %add3A_369, %mul3A_375 : vector<16xf32>
      %swap3A_377 = arith.constant 160 : index
      %swap3A_378 = tpu.vector_load %arg10[%swap3A_377] {strides = array<i32>} : memref<768xf32, #tpu.memory_space<vmem>>, vector<16xf32>,
      %swap3A_379 = vector.shape_cast %swap3A_378 : vector<16xf32> to vector<16xf32>
      %swap3A_380 = vector.shape_cast %add3A_376 : vector<16xf32> to vector<16xf32>
      tpu.vector_store %arg10[%swap3A_377], %swap3A_380 {strides = array<i32>} : memref<768xf32, #tpu.memory_space<vmem>>, vector<16xf32>,
      %get3A_381 = arith.constant 0 : i32
      %get3A_382 = arith.index_cast %get3A_381 : i32 to index
      %get3A_383 = arith.constant 176 : index
      %get3A_384 = tpu.vector_load %arg9[%get3A_382, %get3A_383] {strides = array<i32>} : memref<4x768xf32, #tpu.memory_space<vmem>>, vector<1x16xf32>,
      %get3A_385 = vector.shape_cast %get3A_384 : vector<1x16xf32> to vector<16xf32>
      %mul3A_386 = arith.mulf %get3A_24, %get3A_385 : vector<16xf32>
      %get3A_387 = arith.constant 1 : i32
      %get3A_388 = arith.index_cast %get3A_387 : i32 to index
      %get3A_389 = arith.constant 176 : index
      %get3A_390 = tpu.vector_load %arg9[%get3A_388, %get3A_389] {strides = array<i32>} : memref<4x768xf32, #tpu.memory_space<vmem>>, vector<1x16xf32>,
      %get3A_391 = vector.shape_cast %get3A_390 : vector<1x16xf32> to vector<16xf32>
      %mul3A_392 = arith.mulf %get3A_29, %get3A_391 : vector<16xf32>
      %add3A_393 = arith.addf %mul3A_386, %mul3A_392 : vector<16xf32>
      %get3A_394 = arith.constant 2 : i32
      %get3A_395 = arith.index_cast %get3A_394 : i32 to index
      %get3A_396 = arith.constant 176 : index
      %get3A_397 = tpu.vector_load %arg9[%get3A_395, %get3A_396] {strides = array<i32>} : memref<4x768xf32, #tpu.memory_space<vmem>>, vector<1x16xf32>,
      %get3A_398 = vector.shape_cast %get3A_397 : vector<1x16xf32> to vector<16xf32>
      %mul3A_399 = arith.mulf %get3A_34, %get3A_398 : vector<16xf32>
      %add3A_400 = arith.addf %add3A_393, %mul3A_399 : vector<16xf32>
      %get3A_401 = arith.constant 3 : i32
      %get3A_402 = arith.index_cast %get3A_401 : i32 to index
      %get3A_403 = arith.constant 176 : index
      %get3A_404 = tpu.vector_load %arg9[%get3A_402, %get3A_403] {strides = array<i32>} : memref<4x768xf32, #tpu.memory_space<vmem>>, vector<1x16xf32>,
      %get3A_405 = vector.shape_cast %get3A_404 : vector<1x16xf32> to vector<16xf32>
      %mul3A_406 = arith.mulf %get3A_39, %get3A_405 : vector<16xf32>
      %add3A_407 = arith.addf %add3A_400, %mul3A_406 : vector<16xf32>
      %swap3A_408 = arith.constant 176 : index
      %swap3A_409 = tpu.vector_load %arg10[%swap3A_408] {strides = array<i32>} : memref<768xf32, #tpu.memory_space<vmem>>, vector<16xf32>,
      %swap3A_410 = vector.shape_cast %swap3A_409 : vector<16xf32> to vector<16xf32>
      %swap3A_411 = vector.shape_cast %add3A_407 : vector<16xf32> to vector<16xf32>
      tpu.vector_store %arg10[%swap3A_408], %swap3A_411 {strides = array<i32>} : memref<768xf32, #tpu.memory_space<vmem>>, vector<16xf32>,
      %get3A_412 = arith.constant 0 : i32
      %get3A_413 = arith.index_cast %get3A_412 : i32 to index
      %get3A_414 = arith.constant 192 : index
      %get3A_415 = tpu.vector_load %arg9[%get3A_413, %get3A_414] {strides = array<i32>} : memref<4x768xf32, #tpu.memory_space<vmem>>, vector<1x16xf32>,
      %get3A_416 = vector.shape_cast %get3A_415 : vector<1x16xf32> to vector<16xf32>
      %mul3A_417 = arith.mulf %get3A_24, %get3A_416 : vector<16xf32>
      %get3A_418 = arith.constant 1 : i32
      %get3A_419 = arith.index_cast %get3A_418 : i32 to index
      %get3A_420 = arith.constant 192 : index
      %get3A_421 = tpu.vector_load %arg9[%get3A_419, %get3A_420] {strides = array<i32>} : memref<4x768xf32, #tpu.memory_space<vmem>>, vector<1x16xf32>,
      %get3A_422 = vector.shape_cast %get3A_421 : vector<1x16xf32> to vector<16xf32>
      %mul3A_423 = arith.mulf %get3A_29, %get3A_422 : vector<16xf32>
      %add3A_424 = arith.addf %mul3A_417, %mul3A_423 : vector<16xf32>
      %get3A_425 = arith.constant 2 : i32
      %get3A_426 = arith.index_cast %get3A_425 : i32 to index
      %get3A_427 = arith.constant 192 : index
      %get3A_428 = tpu.vector_load %arg9[%get3A_426, %get3A_427] {strides = array<i32>} : memref<4x768xf32, #tpu.memory_space<vmem>>, vector<1x16xf32>,
      %get3A_429 = vector.shape_cast %get3A_428 : vector<1x16xf32> to vector<16xf32>
      %mul3A_430 = arith.mulf %get3A_34, %get3A_429 : vector<16xf32>
      %add3A_431 = arith.addf %add3A_424, %mul3A_430 : vector<16xf32>
      %get3A_432 = arith.constant 3 : i32
      %get3A_433 = arith.index_cast %get3A_432 : i32 to index
      %get3A_434 = arith.constant 192 : index
      %get3A_435 = tpu.vector_load %arg9[%get3A_433, %get3A_434] {strides = array<i32>} : memref<4x768xf32, #tpu.memory_space<vmem>>, vector<1x16xf32>,
      %get3A_436 = vector.shape_cast %get3A_435 : vector<1x16xf32> to vector<16xf32>
      %mul3A_437 = arith.mulf %get3A_39, %get3A_436 : vector<16xf32>
      %add3A_438 = arith.addf %add3A_431, %mul3A_437 : vector<16xf32>
      %swap3A_439 = arith.constant 192 : index
      %swap3A_440 = tpu.vector_load %arg10[%swap3A_439] {strides = array<i32>} : memref<768xf32, #tpu.memory_space<vmem>>, vector<16xf32>,
      %swap3A_441 = vector.shape_cast %swap3A_440 : vector<16xf32> to vector<16xf32>
      %swap3A_442 = vector.shape_cast %add3A_438 : vector<16xf32> to vector<16xf32>
      tpu.vector_store %arg10[%swap3A_439], %swap3A_442 {strides = array<i32>} : memref<768xf32, #tpu.memory_space<vmem>>, vector<16xf32>,
      %get3A_443 = arith.constant 0 : i32
      %get3A_444 = arith.index_cast %get3A_443 : i32 to index
      %get3A_445 = arith.constant 208 : index
      %get3A_446 = tpu.vector_load %arg9[%get3A_444, %get3A_445] {strides = array<i32>} : memref<4x768xf32, #tpu.memory_space<vmem>>, vector<1x16xf32>,
      %get3A_447 = vector.shape_cast %get3A_446 : vector<1x16xf32> to vector<16xf32>
      %mul3A_448 = arith.mulf %get3A_24, %get3A_447 : vector<16xf32>
      %get3A_449 = arith.constant 1 : i32
      %get3A_450 = arith.index_cast %get3A_449 : i32 to index
      %get3A_451 = arith.constant 208 : index
      %get3A_452 = tpu.vector_load %arg9[%get3A_450, %get3A_451] {strides = array<i32>} : memref<4x768xf32, #tpu.memory_space<vmem>>, vector<1x16xf32>,
      %get3A_453 = vector.shape_cast %get3A_452 : vector<1x16xf32> to vector<16xf32>
      %mul3A_454 = arith.mulf %get3A_29, %get3A_453 : vector<16xf32>
      %add3A_455 = arith.addf %mul3A_448, %mul3A_454 : vector<16xf32>
      %get3A_456 = arith.constant 2 : i32
      %get3A_457 = arith.index_cast %get3A_456 : i32 to index
      %get3A_458 = arith.constant 208 : index
      %get3A_459 = tpu.vector_load %arg9[%get3A_457, %get3A_458] {strides = array<i32>} : memref<4x768xf32, #tpu.memory_space<vmem>>, vector<1x16xf32>,
      %get3A_460 = vector.shape_cast %get3A_459 : vector<1x16xf32> to vector<16xf32>
      %mul3A_461 = arith.mulf %get3A_34, %get3A_460 : vector<16xf32>
      %add3A_462 = arith.addf %add3A_455, %mul3A_461 : vector<16xf32>
      %get3A_463 = arith.constant 3 : i32
      %get3A_464 = arith.index_cast %get3A_463 : i32 to index
      %get3A_465 = arith.constant 208 : index
      %get3A_466 = tpu.vector_load %arg9[%get3A_464, %get3A_465] {strides = array<i32>} : memref<4x768xf32, #tpu.memory_space<vmem>>, vector<1x16xf32>,
      %get3A_467 = vector.shape_cast %get3A_466 : vector<1x16xf32> to vector<16xf32>
      %mul3A_468 = arith.mulf %get3A_39, %get3A_467 : vector<16xf32>
      %add3A_469 = arith.addf %add3A_462, %mul3A_468 : vector<16xf32>
      %swap3A_470 = arith.constant 208 : index
      %swap3A_471 = tpu.vector_load %arg10[%swap3A_470] {strides = array<i32>} : memref<768xf32, #tpu.memory_space<vmem>>, vector<16xf32>,
      %swap3A_472 = vector.shape_cast %swap3A_471 : vector<16xf32> to vector<16xf32>
      %swap3A_473 = vector.shape_cast %add3A_469 : vector<16xf32> to vector<16xf32>
      tpu.vector_store %arg10[%swap3A_470], %swap3A_473 {strides = array<i32>} : memref<768xf32, #tpu.memory_space<vmem>>, vector<16xf32>,
      %get3A_474 = arith.constant 0 : i32
      %get3A_475 = arith.index_cast %get3A_474 : i32 to index
      %get3A_476 = arith.constant 224 : index
      %get3A_477 = tpu.vector_load %arg9[%get3A_475, %get3A_476] {strides = array<i32>} : memref<4x768xf32, #tpu.memory_space<vmem>>, vector<1x16xf32>,
      %get3A_478 = vector.shape_cast %get3A_477 : vector<1x16xf32> to vector<16xf32>
      %mul3A_479 = arith.mulf %get3A_24, %get3A_478 : vector<16xf32>
      %get3A_480 = arith.constant 1 : i32
      %get3A_481 = arith.index_cast %get3A_480 : i32 to index
      %get3A_482 = arith.constant 224 : index
      %get3A_483 = tpu.vector_load %arg9[%get3A_481, %get3A_482] {strides = array<i32>} : memref<4x768xf32, #tpu.memory_space<vmem>>, vector<1x16xf32>,
      %get3A_484 = vector.shape_cast %get3A_483 : vector<1x16xf32> to vector<16xf32>
      %mul3A_485 = arith.mulf %get3A_29, %get3A_484 : vector<16xf32>
      %add3A_486 = arith.addf %mul3A_479, %mul3A_485 : vector<16xf32>
      %get3A_487 = arith.constant 2 : i32
      %get3A_488 = arith.index_cast %get3A_487 : i32 to index
      %get3A_489 = arith.constant 224 : index
      %get3A_490 = tpu.vector_load %arg9[%get3A_488, %get3A_489] {strides = array<i32>} : memref<4x768xf32, #tpu.memory_space<vmem>>, vector<1x16xf32>,
      %get3A_491 = vector.shape_cast %get3A_490 : vector<1x16xf32> to vector<16xf32>
      %mul3A_492 = arith.mulf %get3A_34, %get3A_491 : vector<16xf32>
      %add3A_493 = arith.addf %add3A_486, %mul3A_492 : vector<16xf32>
      %get3A_494 = arith.constant 3 : i32
      %get3A_495 = arith.index_cast %get3A_494 : i32 to index
      %get3A_496 = arith.constant 224 : index
      %get3A_497 = tpu.vector_load %arg9[%get3A_495, %get3A_496] {strides = array<i32>} : memref<4x768xf32, #tpu.memory_space<vmem>>, vector<1x16xf32>,
      %get3A_498 = vector.shape_cast %get3A_497 : vector<1x16xf32> to vector<16xf32>
      %mul3A_499 = arith.mulf %get3A_39, %get3A_498 : vector<16xf32>
      %add3A_500 = arith.addf %add3A_493, %mul3A_499 : vector<16xf32>
      %swap3A_501 = arith.constant 224 : index
      %swap3A_502 = tpu.vector_load %arg10[%swap3A_501] {strides = array<i32>} : memref<768xf32, #tpu.memory_space<vmem>>, vector<16xf32>,
      %swap3A_503 = vector.shape_cast %swap3A_502 : vector<16xf32> to vector<16xf32>
      %swap3A_504 = vector.shape_cast %add3A_500 : vector<16xf32> to vector<16xf32>
      tpu.vector_store %arg10[%swap3A_501], %swap3A_504 {strides = array<i32>} : memref<768xf32, #tpu.memory_space<vmem>>, vector<16xf32>,
      %get3A_505 = arith.constant 0 : i32
      %get3A_506 = arith.index_cast %get3A_505 : i32 to index
      %get3A_507 = arith.constant 240 : index
      %get3A_508 = tpu.vector_load %arg9[%get3A_506, %get3A_507] {strides = array<i32>} : memref<4x768xf32, #tpu.memory_space<vmem>>, vector<1x16xf32>,
      %get3A_509 = vector.shape_cast %get3A_508 : vector<1x16xf32> to vector<16xf32>
      %mul3A_510 = arith.mulf %get3A_24, %get3A_509 : vector<16xf32>
      %get3A_511 = arith.constant 1 : i32
      %get3A_512 = arith.index_cast %get3A_511 : i32 to index
      %get3A_513 = arith.constant 240 : index
      %get3A_514 = tpu.vector_load %arg9[%get3A_512, %get3A_513] {strides = array<i32>} : memref<4x768xf32, #tpu.memory_space<vmem>>, vector<1x16xf32>,
      %get3A_515 = vector.shape_cast %get3A_514 : vector<1x16xf32> to vector<16xf32>
      %mul3A_516 = arith.mulf %get3A_29, %get3A_515 : vector<16xf32>
      %add3A_517 = arith.addf %mul3A_510, %mul3A_516 : vector<16xf32>
      %get3A_518 = arith.constant 2 : i32
      %get3A_519 = arith.index_cast %get3A_518 : i32 to index
      %get3A_520 = arith.constant 240 : index
      %get3A_521 = tpu.vector_load %arg9[%get3A_519, %get3A_520] {strides = array<i32>} : memref<4x768xf32, #tpu.memory_space<vmem>>, vector<1x16xf32>,
      %get3A_522 = vector.shape_cast %get3A_521 : vector<1x16xf32> to vector<16xf32>
      %mul3A_523 = arith.mulf %get3A_34, %get3A_522 : vector<16xf32>
      %add3A_524 = arith.addf %add3A_517, %mul3A_523 : vector<16xf32>
      %get3A_525 = arith.constant 3 : i32
      %get3A_526 = arith.index_cast %get3A_525 : i32 to index
      %get3A_527 = arith.constant 240 : index
      %get3A_528 = tpu.vector_load %arg9[%get3A_526, %get3A_527] {strides = array<i32>} : memref<4x768xf32, #tpu.memory_space<vmem>>, vector<1x16xf32>,
      %get3A_529 = vector.shape_cast %get3A_528 : vector<1x16xf32> to vector<16xf32>
      %mul3A_530 = arith.mulf %get3A_39, %get3A_529 : vector<16xf32>
      %add3A_531 = arith.addf %add3A_524, %mul3A_530 : vector<16xf32>
      %swap3A_532 = arith.constant 240 : index
      %swap3A_533 = tpu.vector_load %arg10[%swap3A_532] {strides = array<i32>} : memref<768xf32, #tpu.memory_space<vmem>>, vector<16xf32>,
      %swap3A_534 = vector.shape_cast %swap3A_533 : vector<16xf32> to vector<16xf32>
      %swap3A_535 = vector.shape_cast %add3A_531 : vector<16xf32> to vector<16xf32>
      tpu.vector_store %arg10[%swap3A_532], %swap3A_535 {strides = array<i32>} : memref<768xf32, #tpu.memory_space<vmem>>, vector<16xf32>,
      %get3A_536 = arith.constant 0 : i32
      %get3A_537 = arith.index_cast %get3A_536 : i32 to index
      %get3A_538 = arith.constant 256 : index
      %get3A_539 = tpu.vector_load %arg9[%get3A_537, %get3A_538] {strides = array<i32>} : memref<4x768xf32, #tpu.memory_space<vmem>>, vector<1x16xf32>,
      %get3A_540 = vector.shape_cast %get3A_539 : vector<1x16xf32> to vector<16xf32>
      %mul3A_541 = arith.mulf %get3A_24, %get3A_540 : vector<16xf32>
      %get3A_542 = arith.constant 1 : i32
      %get3A_543 = arith.index_cast %get3A_542 : i32 to index
      %get3A_544 = arith.constant 256 : index
      %get3A_545 = tpu.vector_load %arg9[%get3A_543, %get3A_544] {strides = array<i32>} : memref<4x768xf32, #tpu.memory_space<vmem>>, vector<1x16xf32>,
      %get3A_546 = vector.shape_cast %get3A_545 : vector<1x16xf32> to vector<16xf32>
      %mul3A_547 = arith.mulf %get3A_29, %get3A_546 : vector<16xf32>
      %add3A_548 = arith.addf %mul3A_541, %mul3A_547 : vector<16xf32>
      %get3A_549 = arith.constant 2 : i32
      %get3A_550 = arith.index_cast %get3A_549 : i32 to index
      %get3A_551 = arith.constant 256 : index
      %get3A_552 = tpu.vector_load %arg9[%get3A_550, %get3A_551] {strides = array<i32>} : memref<4x768xf32, #tpu.memory_space<vmem>>, vector<1x16xf32>,
      %get3A_553 = vector.shape_cast %get3A_552 : vector<1x16xf32> to vector<16xf32>
      %mul3A_554 = arith.mulf %get3A_34, %get3A_553 : vector<16xf32>
      %add3A_555 = arith.addf %add3A_548, %mul3A_554 : vector<16xf32>
      %get3A_556 = arith.constant 3 : i32
      %get3A_557 = arith.index_cast %get3A_556 : i32 to index
      %get3A_558 = arith.constant 256 : index
      %get3A_559 = tpu.vector_load %arg9[%get3A_557, %get3A_558] {strides = array<i32>} : memref<4x768xf32, #tpu.memory_space<vmem>>, vector<1x16xf32>,
      %get3A_560 = vector.shape_cast %get3A_559 : vector<1x16xf32> to vector<16xf32>
      %mul3A_561 = arith.mulf %get3A_39, %get3A_560 : vector<16xf32>
      %add3A_562 = arith.addf %add3A_555, %mul3A_561 : vector<16xf32>
      %swap3A_563 = arith.constant 256 : index
      %swap3A_564 = tpu.vector_load %arg10[%swap3A_563] {strides = array<i32>} : memref<768xf32, #tpu.memory_space<vmem>>, vector<16xf32>,
      %swap3A_565 = vector.shape_cast %swap3A_564 : vector<16xf32> to vector<16xf32>
      %swap3A_566 = vector.shape_cast %add3A_562 : vector<16xf32> to vector<16xf32>
      tpu.vector_store %arg10[%swap3A_563], %swap3A_566 {strides = array<i32>} : memref<768xf32, #tpu.memory_space<vmem>>, vector<16xf32>,
      %get3A_567 = arith.constant 0 : i32
      %get3A_568 = arith.index_cast %get3A_567 : i32 to index
      %get3A_569 = arith.constant 272 : index
      %get3A_570 = tpu.vector_load %arg9[%get3A_568, %get3A_569] {strides = array<i32>} : memref<4x768xf32, #tpu.memory_space<vmem>>, vector<1x16xf32>,
      %get3A_571 = vector.shape_cast %get3A_570 : vector<1x16xf32> to vector<16xf32>
      %mul3A_572 = arith.mulf %get3A_24, %get3A_571 : vector<16xf32>
      %get3A_573 = arith.constant 1 : i32
      %get3A_574 = arith.index_cast %get3A_573 : i32 to index
      %get3A_575 = arith.constant 272 : index
      %get3A_576 = tpu.vector_load %arg9[%get3A_574, %get3A_575] {strides = array<i32>} : memref<4x768xf32, #tpu.memory_space<vmem>>, vector<1x16xf32>,
      %get3A_577 = vector.shape_cast %get3A_576 : vector<1x16xf32> to vector<16xf32>
      %mul3A_578 = arith.mulf %get3A_29, %get3A_577 : vector<16xf32>
      %add3A_579 = arith.addf %mul3A_572, %mul3A_578 : vector<16xf32>
      %get3A_580 = arith.constant 2 : i32
      %get3A_581 = arith.index_cast %get3A_580 : i32 to index
      %get3A_582 = arith.constant 272 : index
      %get3A_583 = tpu.vector_load %arg9[%get3A_581, %get3A_582] {strides = array<i32>} : memref<4x768xf32, #tpu.memory_space<vmem>>, vector<1x16xf32>,
      %get3A_584 = vector.shape_cast %get3A_583 : vector<1x16xf32> to vector<16xf32>
      %mul3A_585 = arith.mulf %get3A_34, %get3A_584 : vector<16xf32>
      %add3A_586 = arith.addf %add3A_579, %mul3A_585 : vector<16xf32>
      %get3A_587 = arith.constant 3 : i32
      %get3A_588 = arith.index_cast %get3A_587 : i32 to index
      %get3A_589 = arith.constant 272 : index
      %get3A_590 = tpu.vector_load %arg9[%get3A_588, %get3A_589] {strides = array<i32>} : memref<4x768xf32, #tpu.memory_space<vmem>>, vector<1x16xf32>,
      %get3A_591 = vector.shape_cast %get3A_590 : vector<1x16xf32> to vector<16xf32>
      %mul3A_592 = arith.mulf %get3A_39, %get3A_591 : vector<16xf32>
      %add3A_593 = arith.addf %add3A_586, %mul3A_592 : vector<16xf32>
      %swap3A_594 = arith.constant 272 : index
      %swap3A_595 = tpu.vector_load %arg10[%swap3A_594] {strides = array<i32>} : memref<768xf32, #tpu.memory_space<vmem>>, vector<16xf32>,
      %swap3A_596 = vector.shape_cast %swap3A_595 : vector<16xf32> to vector<16xf32>
      %swap3A_597 = vector.shape_cast %add3A_593 : vector<16xf32> to vector<16xf32>
      tpu.vector_store %arg10[%swap3A_594], %swap3A_597 {strides = array<i32>} : memref<768xf32, #tpu.memory_space<vmem>>, vector<16xf32>,
      %get3A_598 = arith.constant 0 : i32
      %get3A_599 = arith.index_cast %get3A_598 : i32 to index
      %get3A_600 = arith.constant 288 : index
      %get3A_601 = tpu.vector_load %arg9[%get3A_599, %get3A_600] {strides = array<i32>} : memref<4x768xf32, #tpu.memory_space<vmem>>, vector<1x16xf32>,
      %get3A_602 = vector.shape_cast %get3A_601 : vector<1x16xf32> to vector<16xf32>
      %mul3A_603 = arith.mulf %get3A_24, %get3A_602 : vector<16xf32>
      %get3A_604 = arith.constant 1 : i32
      %get3A_605 = arith.index_cast %get3A_604 : i32 to index
      %get3A_606 = arith.constant 288 : index
      %get3A_607 = tpu.vector_load %arg9[%get3A_605, %get3A_606] {strides = array<i32>} : memref<4x768xf32, #tpu.memory_space<vmem>>, vector<1x16xf32>,
      %get3A_608 = vector.shape_cast %get3A_607 : vector<1x16xf32> to vector<16xf32>
      %mul3A_609 = arith.mulf %get3A_29, %get3A_608 : vector<16xf32>
      %add3A_610 = arith.addf %mul3A_603, %mul3A_609 : vector<16xf32>
      %get3A_611 = arith.constant 2 : i32
      %get3A_612 = arith.index_cast %get3A_611 : i32 to index
      %get3A_613 = arith.constant 288 : index
      %get3A_614 = tpu.vector_load %arg9[%get3A_612, %get3A_613] {strides = array<i32>} : memref<4x768xf32, #tpu.memory_space<vmem>>, vector<1x16xf32>,
      %get3A_615 = vector.shape_cast %get3A_614 : vector<1x16xf32> to vector<16xf32>
      %mul3A_616 = arith.mulf %get3A_34, %get3A_615 : vector<16xf32>
      %add3A_617 = arith.addf %add3A_610, %mul3A_616 : vector<16xf32>
      %get3A_618 = arith.constant 3 : i32
      %get3A_619 = arith.index_cast %get3A_618 : i32 to index
      %get3A_620 = arith.constant 288 : index
      %get3A_621 = tpu.vector_load %arg9[%get3A_619, %get3A_620] {strides = array<i32>} : memref<4x768xf32, #tpu.memory_space<vmem>>, vector<1x16xf32>,
      %get3A_622 = vector.shape_cast %get3A_621 : vector<1x16xf32> to vector<16xf32>
      %mul3A_623 = arith.mulf %get3A_39, %get3A_622 : vector<16xf32>
      %add3A_624 = arith.addf %add3A_617, %mul3A_623 : vector<16xf32>
      %swap3A_625 = arith.constant 288 : index
      %swap3A_626 = tpu.vector_load %arg10[%swap3A_625] {strides = array<i32>} : memref<768xf32, #tpu.memory_space<vmem>>, vector<16xf32>,
      %swap3A_627 = vector.shape_cast %swap3A_626 : vector<16xf32> to vector<16xf32>
      %swap3A_628 = vector.shape_cast %add3A_624 : vector<16xf32> to vector<16xf32>
      tpu.vector_store %arg10[%swap3A_625], %swap3A_628 {strides = array<i32>} : memref<768xf32, #tpu.memory_space<vmem>>, vector<16xf32>,
      %get3A_629 = arith.constant 0 : i32
      %get3A_630 = arith.index_cast %get3A_629 : i32 to index
      %get3A_631 = arith.constant 304 : index
      %get3A_632 = tpu.vector_load %arg9[%get3A_630, %get3A_631] {strides = array<i32>} : memref<4x768xf32, #tpu.memory_space<vmem>>, vector<1x16xf32>,
      %get3A_633 = vector.shape_cast %get3A_632 : vector<1x16xf32> to vector<16xf32>
      %mul3A_634 = arith.mulf %get3A_24, %get3A_633 : vector<16xf32>
      %get3A_635 = arith.constant 1 : i32
      %get3A_636 = arith.index_cast %get3A_635 : i32 to index
      %get3A_637 = arith.constant 304 : index
      %get3A_638 = tpu.vector_load %arg9[%get3A_636, %get3A_637] {strides = array<i32>} : memref<4x768xf32, #tpu.memory_space<vmem>>, vector<1x16xf32>,
      %get3A_639 = vector.shape_cast %get3A_638 : vector<1x16xf32> to vector<16xf32>
      %mul3A_640 = arith.mulf %get3A_29, %get3A_639 : vector<16xf32>
      %add3A_641 = arith.addf %mul3A_634, %mul3A_640 : vector<16xf32>
      %get3A_642 = arith.constant 2 : i32
      %get3A_643 = arith.index_cast %get3A_642 : i32 to index
      %get3A_644 = arith.constant 304 : index
      %get3A_645 = tpu.vector_load %arg9[%get3A_643, %get3A_644] {strides = array<i32>} : memref<4x768xf32, #tpu.memory_space<vmem>>, vector<1x16xf32>,
      %get3A_646 = vector.shape_cast %get3A_645 : vector<1x16xf32> to vector<16xf32>
      %mul3A_647 = arith.mulf %get3A_34, %get3A_646 : vector<16xf32>
      %add3A_648 = arith.addf %add3A_641, %mul3A_647 : vector<16xf32>
      %get3A_649 = arith.constant 3 : i32
      %get3A_650 = arith.index_cast %get3A_649 : i32 to index
      %get3A_651 = arith.constant 304 : index
      %get3A_652 = tpu.vector_load %arg9[%get3A_650, %get3A_651] {strides = array<i32>} : memref<4x768xf32, #tpu.memory_space<vmem>>, vector<1x16xf32>,
      %get3A_653 = vector.shape_cast %get3A_652 : vector<1x16xf32> to vector<16xf32>
      %mul3A_654 = arith.mulf %get3A_39, %get3A_653 : vector<16xf32>
      %add3A_655 = arith.addf %add3A_648, %mul3A_654 : vector<16xf32>
      %swap3A_656 = arith.constant 304 : index
      %swap3A_657 = tpu.vector_load %arg10[%swap3A_656] {strides = array<i32>} : memref<768xf32, #tpu.memory_space<vmem>>, vector<16xf32>,
      %swap3A_658 = vector.shape_cast %swap3A_657 : vector<16xf32> to vector<16xf32>
      %swap3A_659 = vector.shape_cast %add3A_655 : vector<16xf32> to vector<16xf32>
      tpu.vector_store %arg10[%swap3A_656], %swap3A_659 {strides = array<i32>} : memref<768xf32, #tpu.memory_space<vmem>>, vector<16xf32>,
      %get3A_660 = arith.constant 0 : i32
      %get3A_661 = arith.index_cast %get3A_660 : i32 to index
      %get3A_662 = arith.constant 320 : index
      %get3A_663 = tpu.vector_load %arg9[%get3A_661, %get3A_662] {strides = array<i32>} : memref<4x768xf32, #tpu.memory_space<vmem>>, vector<1x16xf32>,
      %get3A_664 = vector.shape_cast %get3A_663 : vector<1x16xf32> to vector<16xf32>
      %mul3A_665 = arith.mulf %get3A_24, %get3A_664 : vector<16xf32>
      %get3A_666 = arith.constant 1 : i32
      %get3A_667 = arith.index_cast %get3A_666 : i32 to index
      %get3A_668 = arith.constant 320 : index
      %get3A_669 = tpu.vector_load %arg9[%get3A_667, %get3A_668] {strides = array<i32>} : memref<4x768xf32, #tpu.memory_space<vmem>>, vector<1x16xf32>,
      %get3A_670 = vector.shape_cast %get3A_669 : vector<1x16xf32> to vector<16xf32>
      %mul3A_671 = arith.mulf %get3A_29, %get3A_670 : vector<16xf32>
      %add3A_672 = arith.addf %mul3A_665, %mul3A_671 : vector<16xf32>
      %get3A_673 = arith.constant 2 : i32
      %get3A_674 = arith.index_cast %get3A_673 : i32 to index
      %get3A_675 = arith.constant 320 : index
      %get3A_676 = tpu.vector_load %arg9[%get3A_674, %get3A_675] {strides = array<i32>} : memref<4x768xf32, #tpu.memory_space<vmem>>, vector<1x16xf32>,
      %get3A_677 = vector.shape_cast %get3A_676 : vector<1x16xf32> to vector<16xf32>
      %mul3A_678 = arith.mulf %get3A_34, %get3A_677 : vector<16xf32>
      %add3A_679 = arith.addf %add3A_672, %mul3A_678 : vector<16xf32>
      %get3A_680 = arith.constant 3 : i32
      %get3A_681 = arith.index_cast %get3A_680 : i32 to index
      %get3A_682 = arith.constant 320 : index
      %get3A_683 = tpu.vector_load %arg9[%get3A_681, %get3A_682] {strides = array<i32>} : memref<4x768xf32, #tpu.memory_space<vmem>>, vector<1x16xf32>,
      %get3A_684 = vector.shape_cast %get3A_683 : vector<1x16xf32> to vector<16xf32>
      %mul3A_685 = arith.mulf %get3A_39, %get3A_684 : vector<16xf32>
      %add3A_686 = arith.addf %add3A_679, %mul3A_685 : vector<16xf32>
      %swap3A_687 = arith.constant 320 : index
      %swap3A_688 = tpu.vector_load %arg10[%swap3A_687] {strides = array<i32>} : memref<768xf32, #tpu.memory_space<vmem>>, vector<16xf32>,
      %swap3A_689 = vector.shape_cast %swap3A_688 : vector<16xf32> to vector<16xf32>
      %swap3A_690 = vector.shape_cast %add3A_686 : vector<16xf32> to vector<16xf32>
      tpu.vector_store %arg10[%swap3A_687], %swap3A_690 {strides = array<i32>} : memref<768xf32, #tpu.memory_space<vmem>>, vector<16xf32>,
      %get3A_691 = arith.constant 0 : i32
      %get3A_692 = arith.index_cast %get3A_691 : i32 to index
      %get3A_693 = arith.constant 336 : index
      %get3A_694 = tpu.vector_load %arg9[%get3A_692, %get3A_693] {strides = array<i32>} : memref<4x768xf32, #tpu.memory_space<vmem>>, vector<1x16xf32>,
      %get3A_695 = vector.shape_cast %get3A_694 : vector<1x16xf32> to vector<16xf32>
      %mul3A_696 = arith.mulf %get3A_24, %get3A_695 : vector<16xf32>
      %get3A_697 = arith.constant 1 : i32
      %get3A_698 = arith.index_cast %get3A_697 : i32 to index
      %get3A_699 = arith.constant 336 : index
      %get3A_700 = tpu.vector_load %arg9[%get3A_698, %get3A_699] {strides = array<i32>} : memref<4x768xf32, #tpu.memory_space<vmem>>, vector<1x16xf32>,
      %get3A_701 = vector.shape_cast %get3A_700 : vector<1x16xf32> to vector<16xf32>
      %mul3A_702 = arith.mulf %get3A_29, %get3A_701 : vector<16xf32>
      %add3A_703 = arith.addf %mul3A_696, %mul3A_702 : vector<16xf32>
      %get3A_704 = arith.constant 2 : i32
      %get3A_705 = arith.index_cast %get3A_704 : i32 to index
      %get3A_706 = arith.constant 336 : index
      %get3A_707 = tpu.vector_load %arg9[%get3A_705, %get3A_706] {strides = array<i32>} : memref<4x768xf32, #tpu.memory_space<vmem>>, vector<1x16xf32>,
      %get3A_708 = vector.shape_cast %get3A_707 : vector<1x16xf32> to vector<16xf32>
      %mul3A_709 = arith.mulf %get3A_34, %get3A_708 : vector<16xf32>
      %add3A_710 = arith.addf %add3A_703, %mul3A_709 : vector<16xf32>
      %get3A_711 = arith.constant 3 : i32
      %get3A_712 = arith.index_cast %get3A_711 : i32 to index
      %get3A_713 = arith.constant 336 : index
      %get3A_714 = tpu.vector_load %arg9[%get3A_712, %get3A_713] {strides = array<i32>} : memref<4x768xf32, #tpu.memory_space<vmem>>, vector<1x16xf32>,
      %get3A_715 = vector.shape_cast %get3A_714 : vector<1x16xf32> to vector<16xf32>
      %mul3A_716 = arith.mulf %get3A_39, %get3A_715 : vector<16xf32>
      %add3A_717 = arith.addf %add3A_710, %mul3A_716 : vector<16xf32>
      %swap3A_718 = arith.constant 336 : index
      %swap3A_719 = tpu.vector_load %arg10[%swap3A_718] {strides = array<i32>} : memref<768xf32, #tpu.memory_space<vmem>>, vector<16xf32>,
      %swap3A_720 = vector.shape_cast %swap3A_719 : vector<16xf32> to vector<16xf32>
      %swap3A_721 = vector.shape_cast %add3A_717 : vector<16xf32> to vector<16xf32>
      tpu.vector_store %arg10[%swap3A_718], %swap3A_721 {strides = array<i32>} : memref<768xf32, #tpu.memory_space<vmem>>, vector<16xf32>,
      %get3A_722 = arith.constant 0 : i32
      %get3A_723 = arith.index_cast %get3A_722 : i32 to index
      %get3A_724 = arith.constant 352 : index
      %get3A_725 = tpu.vector_load %arg9[%get3A_723, %get3A_724] {strides = array<i32>} : memref<4x768xf32, #tpu.memory_space<vmem>>, vector<1x16xf32>,
      %get3A_726 = vector.shape_cast %get3A_725 : vector<1x16xf32> to vector<16xf32>
      %mul3A_727 = arith.mulf %get3A_24, %get3A_726 : vector<16xf32>
      %get3A_728 = arith.constant 1 : i32
      %get3A_729 = arith.index_cast %get3A_728 : i32 to index
      %get3A_730 = arith.constant 352 : index
      %get3A_731 = tpu.vector_load %arg9[%get3A_729, %get3A_730] {strides = array<i32>} : memref<4x768xf32, #tpu.memory_space<vmem>>, vector<1x16xf32>,
      %get3A_732 = vector.shape_cast %get3A_731 : vector<1x16xf32> to vector<16xf32>
      %mul3A_733 = arith.mulf %get3A_29, %get3A_732 : vector<16xf32>
      %add3A_734 = arith.addf %mul3A_727, %mul3A_733 : vector<16xf32>
      %get3A_735 = arith.constant 2 : i32
      %get3A_736 = arith.index_cast %get3A_735 : i32 to index
      %get3A_737 = arith.constant 352 : index
      %get3A_738 = tpu.vector_load %arg9[%get3A_736, %get3A_737] {strides = array<i32>} : memref<4x768xf32, #tpu.memory_space<vmem>>, vector<1x16xf32>,
      %get3A_739 = vector.shape_cast %get3A_738 : vector<1x16xf32> to vector<16xf32>
      %mul3A_740 = arith.mulf %get3A_34, %get3A_739 : vector<16xf32>
      %add3A_741 = arith.addf %add3A_734, %mul3A_740 : vector<16xf32>
      %get3A_742 = arith.constant 3 : i32
      %get3A_743 = arith.index_cast %get3A_742 : i32 to index
      %get3A_744 = arith.constant 352 : index
      %get3A_745 = tpu.vector_load %arg9[%get3A_743, %get3A_744] {strides = array<i32>} : memref<4x768xf32, #tpu.memory_space<vmem>>, vector<1x16xf32>,
      %get3A_746 = vector.shape_cast %get3A_745 : vector<1x16xf32> to vector<16xf32>
      %mul3A_747 = arith.mulf %get3A_39, %get3A_746 : vector<16xf32>
      %add3A_748 = arith.addf %add3A_741, %mul3A_747 : vector<16xf32>
      %swap3A_749 = arith.constant 352 : index
      %swap3A_750 = tpu.vector_load %arg10[%swap3A_749] {strides = array<i32>} : memref<768xf32, #tpu.memory_space<vmem>>, vector<16xf32>,
      %swap3A_751 = vector.shape_cast %swap3A_750 : vector<16xf32> to vector<16xf32>
      %swap3A_752 = vector.shape_cast %add3A_748 : vector<16xf32> to vector<16xf32>
      tpu.vector_store %arg10[%swap3A_749], %swap3A_752 {strides = array<i32>} : memref<768xf32, #tpu.memory_space<vmem>>, vector<16xf32>,
      %get3A_753 = arith.constant 0 : i32
      %get3A_754 = arith.index_cast %get3A_753 : i32 to index
      %get3A_755 = arith.constant 368 : index
      %get3A_756 = tpu.vector_load %arg9[%get3A_754, %get3A_755] {strides = array<i32>} : memref<4x768xf32, #tpu.memory_space<vmem>>, vector<1x16xf32>,
      %get3A_757 = vector.shape_cast %get3A_756 : vector<1x16xf32> to vector<16xf32>
      %mul3A_758 = arith.mulf %get3A_24, %get3A_757 : vector<16xf32>
      %get3A_759 = arith.constant 1 : i32
      %get3A_760 = arith.index_cast %get3A_759 : i32 to index
      %get3A_761 = arith.constant 368 : index
      %get3A_762 = tpu.vector_load %arg9[%get3A_760, %get3A_761] {strides = array<i32>} : memref<4x768xf32, #tpu.memory_space<vmem>>, vector<1x16xf32>,
      %get3A_763 = vector.shape_cast %get3A_762 : vector<1x16xf32> to vector<16xf32>
      %mul3A_764 = arith.mulf %get3A_29, %get3A_763 : vector<16xf32>
      %add3A_765 = arith.addf %mul3A_758, %mul3A_764 : vector<16xf32>
      %get3A_766 = arith.constant 2 : i32
      %get3A_767 = arith.index_cast %get3A_766 : i32 to index
      %get3A_768 = arith.constant 368 : index
      %get3A_769 = tpu.vector_load %arg9[%get3A_767, %get3A_768] {strides = array<i32>} : memref<4x768xf32, #tpu.memory_space<vmem>>, vector<1x16xf32>,
      %get3A_770 = vector.shape_cast %get3A_769 : vector<1x16xf32> to vector<16xf32>
      %mul3A_771 = arith.mulf %get3A_34, %get3A_770 : vector<16xf32>
      %add3A_772 = arith.addf %add3A_765, %mul3A_771 : vector<16xf32>
      %get3A_773 = arith.constant 3 : i32
      %get3A_774 = arith.index_cast %get3A_773 : i32 to index
      %get3A_775 = arith.constant 368 : index
      %get3A_776 = tpu.vector_load %arg9[%get3A_774, %get3A_775] {strides = array<i32>} : memref<4x768xf32, #tpu.memory_space<vmem>>, vector<1x16xf32>,
      %get3A_777 = vector.shape_cast %get3A_776 : vector<1x16xf32> to vector<16xf32>
      %mul3A_778 = arith.mulf %get3A_39, %get3A_777 : vector<16xf32>
      %add3A_779 = arith.addf %add3A_772, %mul3A_778 : vector<16xf32>
      %swap3A_780 = arith.constant 368 : index
      %swap3A_781 = tpu.vector_load %arg10[%swap3A_780] {strides = array<i32>} : memref<768xf32, #tpu.memory_space<vmem>>, vector<16xf32>,
      %swap3A_782 = vector.shape_cast %swap3A_781 : vector<16xf32> to vector<16xf32>
      %swap3A_783 = vector.shape_cast %add3A_779 : vector<16xf32> to vector<16xf32>
      tpu.vector_store %arg10[%swap3A_780], %swap3A_783 {strides = array<i32>} : memref<768xf32, #tpu.memory_space<vmem>>, vector<16xf32>,
      %get3A_784 = arith.constant 0 : i32
      %get3A_785 = arith.index_cast %get3A_784 : i32 to index
      %get3A_786 = arith.constant 384 : index
      %get3A_787 = tpu.vector_load %arg9[%get3A_785, %get3A_786] {strides = array<i32>} : memref<4x768xf32, #tpu.memory_space<vmem>>, vector<1x16xf32>,
      %get3A_788 = vector.shape_cast %get3A_787 : vector<1x16xf32> to vector<16xf32>
      %mul3A_789 = arith.mulf %get3A_24, %get3A_788 : vector<16xf32>
      %get3A_790 = arith.constant 1 : i32
      %get3A_791 = arith.index_cast %get3A_790 : i32 to index
      %get3A_792 = arith.constant 384 : index
      %get3A_793 = tpu.vector_load %arg9[%get3A_791, %get3A_792] {strides = array<i32>} : memref<4x768xf32, #tpu.memory_space<vmem>>, vector<1x16xf32>,
      %get3A_794 = vector.shape_cast %get3A_793 : vector<1x16xf32> to vector<16xf32>
      %mul3A_795 = arith.mulf %get3A_29, %get3A_794 : vector<16xf32>
      %add3A_796 = arith.addf %mul3A_789, %mul3A_795 : vector<16xf32>
      %get3A_797 = arith.constant 2 : i32
      %get3A_798 = arith.index_cast %get3A_797 : i32 to index
      %get3A_799 = arith.constant 384 : index
      %get3A_800 = tpu.vector_load %arg9[%get3A_798, %get3A_799] {strides = array<i32>} : memref<4x768xf32, #tpu.memory_space<vmem>>, vector<1x16xf32>,
      %get3A_801 = vector.shape_cast %get3A_800 : vector<1x16xf32> to vector<16xf32>
      %mul3A_802 = arith.mulf %get3A_34, %get3A_801 : vector<16xf32>
      %add3A_803 = arith.addf %add3A_796, %mul3A_802 : vector<16xf32>
      %get3A_804 = arith.constant 3 : i32
      %get3A_805 = arith.index_cast %get3A_804 : i32 to index
      %get3A_806 = arith.constant 384 : index
      %get3A_807 = tpu.vector_load %arg9[%get3A_805, %get3A_806] {strides = array<i32>} : memref<4x768xf32, #tpu.memory_space<vmem>>, vector<1x16xf32>,
      %get3A_808 = vector.shape_cast %get3A_807 : vector<1x16xf32> to vector<16xf32>
      %mul3A_809 = arith.mulf %get3A_39, %get3A_808 : vector<16xf32>
      %add3A_810 = arith.addf %add3A_803, %mul3A_809 : vector<16xf32>
      %swap3A_811 = arith.constant 384 : index
      %swap3A_812 = tpu.vector_load %arg10[%swap3A_811] {strides = array<i32>} : memref<768xf32, #tpu.memory_space<vmem>>, vector<16xf32>,
      %swap3A_813 = vector.shape_cast %swap3A_812 : vector<16xf32> to vector<16xf32>
      %swap3A_814 = vector.shape_cast %add3A_810 : vector<16xf32> to vector<16xf32>
      tpu.vector_store %arg10[%swap3A_811], %swap3A_814 {strides = array<i32>} : memref<768xf32, #tpu.memory_space<vmem>>, vector<16xf32>,
      %get3A_815 = arith.constant 0 : i32
      %get3A_816 = arith.index_cast %get3A_815 : i32 to index
      %get3A_817 = arith.constant 400 : index
      %get3A_818 = tpu.vector_load %arg9[%get3A_816, %get3A_817] {strides = array<i32>} : memref<4x768xf32, #tpu.memory_space<vmem>>, vector<1x16xf32>,
      %get3A_819 = vector.shape_cast %get3A_818 : vector<1x16xf32> to vector<16xf32>
      %mul3A_820 = arith.mulf %get3A_24, %get3A_819 : vector<16xf32>
      %get3A_821 = arith.constant 1 : i32
      %get3A_822 = arith.index_cast %get3A_821 : i32 to index
      %get3A_823 = arith.constant 400 : index
      %get3A_824 = tpu.vector_load %arg9[%get3A_822, %get3A_823] {strides = array<i32>} : memref<4x768xf32, #tpu.memory_space<vmem>>, vector<1x16xf32>,
      %get3A_825 = vector.shape_cast %get3A_824 : vector<1x16xf32> to vector<16xf32>
      %mul3A_826 = arith.mulf %get3A_29, %get3A_825 : vector<16xf32>
      %add3A_827 = arith.addf %mul3A_820, %mul3A_826 : vector<16xf32>
      %get3A_828 = arith.constant 2 : i32
      %get3A_829 = arith.index_cast %get3A_828 : i32 to index
      %get3A_830 = arith.constant 400 : index
      %get3A_831 = tpu.vector_load %arg9[%get3A_829, %get3A_830] {strides = array<i32>} : memref<4x768xf32, #tpu.memory_space<vmem>>, vector<1x16xf32>,
      %get3A_832 = vector.shape_cast %get3A_831 : vector<1x16xf32> to vector<16xf32>
      %mul3A_833 = arith.mulf %get3A_34, %get3A_832 : vector<16xf32>
      %add3A_834 = arith.addf %add3A_827, %mul3A_833 : vector<16xf32>
      %get3A_835 = arith.constant 3 : i32
      %get3A_836 = arith.index_cast %get3A_835 : i32 to index
      %get3A_837 = arith.constant 400 : index
      %get3A_838 = tpu.vector_load %arg9[%get3A_836, %get3A_837] {strides = array<i32>} : memref<4x768xf32, #tpu.memory_space<vmem>>, vector<1x16xf32>,
      %get3A_839 = vector.shape_cast %get3A_838 : vector<1x16xf32> to vector<16xf32>
      %mul3A_840 = arith.mulf %get3A_39, %get3A_839 : vector<16xf32>
      %add3A_841 = arith.addf %add3A_834, %mul3A_840 : vector<16xf32>
      %swap3A_842 = arith.constant 400 : index
      %swap3A_843 = tpu.vector_load %arg10[%swap3A_842] {strides = array<i32>} : memref<768xf32, #tpu.memory_space<vmem>>, vector<16xf32>,
      %swap3A_844 = vector.shape_cast %swap3A_843 : vector<16xf32> to vector<16xf32>
      %swap3A_845 = vector.shape_cast %add3A_841 : vector<16xf32> to vector<16xf32>
      tpu.vector_store %arg10[%swap3A_842], %swap3A_845 {strides = array<i32>} : memref<768xf32, #tpu.memory_space<vmem>>, vector<16xf32>,
      %get3A_846 = arith.constant 0 : i32
      %get3A_847 = arith.index_cast %get3A_846 : i32 to index
      %get3A_848 = arith.constant 416 : index
      %get3A_849 = tpu.vector_load %arg9[%get3A_847, %get3A_848] {strides = array<i32>} : memref<4x768xf32, #tpu.memory_space<vmem>>, vector<1x16xf32>,
      %get3A_850 = vector.shape_cast %get3A_849 : vector<1x16xf32> to vector<16xf32>
      %mul3A_851 = arith.mulf %get3A_24, %get3A_850 : vector<16xf32>
      %get3A_852 = arith.constant 1 : i32
      %get3A_853 = arith.index_cast %get3A_852 : i32 to index
      %get3A_854 = arith.constant 416 : index
      %get3A_855 = tpu.vector_load %arg9[%get3A_853, %get3A_854] {strides = array<i32>} : memref<4x768xf32, #tpu.memory_space<vmem>>, vector<1x16xf32>,
      %get3A_856 = vector.shape_cast %get3A_855 : vector<1x16xf32> to vector<16xf32>
      %mul3A_857 = arith.mulf %get3A_29, %get3A_856 : vector<16xf32>
      %add3A_858 = arith.addf %mul3A_851, %mul3A_857 : vector<16xf32>
      %get3A_859 = arith.constant 2 : i32
      %get3A_860 = arith.index_cast %get3A_859 : i32 to index
      %get3A_861 = arith.constant 416 : index
      %get3A_862 = tpu.vector_load %arg9[%get3A_860, %get3A_861] {strides = array<i32>} : memref<4x768xf32, #tpu.memory_space<vmem>>, vector<1x16xf32>,
      %get3A_863 = vector.shape_cast %get3A_862 : vector<1x16xf32> to vector<16xf32>
      %mul3A_864 = arith.mulf %get3A_34, %get3A_863 : vector<16xf32>
      %add3A_865 = arith.addf %add3A_858, %mul3A_864 : vector<16xf32>
      %get3A_866 = arith.constant 3 : i32
      %get3A_867 = arith.index_cast %get3A_866 : i32 to index
      %get3A_868 = arith.constant 416 : index
      %get3A_869 = tpu.vector_load %arg9[%get3A_867, %get3A_868] {strides = array<i32>} : memref<4x768xf32, #tpu.memory_space<vmem>>, vector<1x16xf32>,
      %get3A_870 = vector.shape_cast %get3A_869 : vector<1x16xf32> to vector<16xf32>
      %mul3A_871 = arith.mulf %get3A_39, %get3A_870 : vector<16xf32>
      %add3A_872 = arith.addf %add3A_865, %mul3A_871 : vector<16xf32>
      %swap3A_873 = arith.constant 416 : index
      %swap3A_874 = tpu.vector_load %arg10[%swap3A_873] {strides = array<i32>} : memref<768xf32, #tpu.memory_space<vmem>>, vector<16xf32>,
      %swap3A_875 = vector.shape_cast %swap3A_874 : vector<16xf32> to vector<16xf32>
      %swap3A_876 = vector.shape_cast %add3A_872 : vector<16xf32> to vector<16xf32>
      tpu.vector_store %arg10[%swap3A_873], %swap3A_876 {strides = array<i32>} : memref<768xf32, #tpu.memory_space<vmem>>, vector<16xf32>,
      %get3A_877 = arith.constant 0 : i32
      %get3A_878 = arith.index_cast %get3A_877 : i32 to index
      %get3A_879 = arith.constant 432 : index
      %get3A_880 = tpu.vector_load %arg9[%get3A_878, %get3A_879] {strides = array<i32>} : memref<4x768xf32, #tpu.memory_space<vmem>>, vector<1x16xf32>,
      %get3A_881 = vector.shape_cast %get3A_880 : vector<1x16xf32> to vector<16xf32>
      %mul3A_882 = arith.mulf %get3A_24, %get3A_881 : vector<16xf32>
      %get3A_883 = arith.constant 1 : i32
      %get3A_884 = arith.index_cast %get3A_883 : i32 to index
      %get3A_885 = arith.constant 432 : index
      %get3A_886 = tpu.vector_load %arg9[%get3A_884, %get3A_885] {strides = array<i32>} : memref<4x768xf32, #tpu.memory_space<vmem>>, vector<1x16xf32>,
      %get3A_887 = vector.shape_cast %get3A_886 : vector<1x16xf32> to vector<16xf32>
      %mul3A_888 = arith.mulf %get3A_29, %get3A_887 : vector<16xf32>
      %add3A_889 = arith.addf %mul3A_882, %mul3A_888 : vector<16xf32>
      %get3A_890 = arith.constant 2 : i32
      %get3A_891 = arith.index_cast %get3A_890 : i32 to index
      %get3A_892 = arith.constant 432 : index
      %get3A_893 = tpu.vector_load %arg9[%get3A_891, %get3A_892] {strides = array<i32>} : memref<4x768xf32, #tpu.memory_space<vmem>>, vector<1x16xf32>,
      %get3A_894 = vector.shape_cast %get3A_893 : vector<1x16xf32> to vector<16xf32>
      %mul3A_895 = arith.mulf %get3A_34, %get3A_894 : vector<16xf32>
      %add3A_896 = arith.addf %add3A_889, %mul3A_895 : vector<16xf32>
      %get3A_897 = arith.constant 3 : i32
      %get3A_898 = arith.index_cast %get3A_897 : i32 to index
      %get3A_899 = arith.constant 432 : index
      %get3A_900 = tpu.vector_load %arg9[%get3A_898, %get3A_899] {strides = array<i32>} : memref<4x768xf32, #tpu.memory_space<vmem>>, vector<1x16xf32>,
      %get3A_901 = vector.shape_cast %get3A_900 : vector<1x16xf32> to vector<16xf32>
      %mul3A_902 = arith.mulf %get3A_39, %get3A_901 : vector<16xf32>
      %add3A_903 = arith.addf %add3A_896, %mul3A_902 : vector<16xf32>
      %swap3A_904 = arith.constant 432 : index
      %swap3A_905 = tpu.vector_load %arg10[%swap3A_904] {strides = array<i32>} : memref<768xf32, #tpu.memory_space<vmem>>, vector<16xf32>,
      %swap3A_906 = vector.shape_cast %swap3A_905 : vector<16xf32> to vector<16xf32>
      %swap3A_907 = vector.shape_cast %add3A_903 : vector<16xf32> to vector<16xf32>
      tpu.vector_store %arg10[%swap3A_904], %swap3A_907 {strides = array<i32>} : memref<768xf32, #tpu.memory_space<vmem>>, vector<16xf32>,
      %get3A_908 = arith.constant 0 : i32
      %get3A_909 = arith.index_cast %get3A_908 : i32 to index
      %get3A_910 = arith.constant 448 : index
      %get3A_911 = tpu.vector_load %arg9[%get3A_909, %get3A_910] {strides = array<i32>} : memref<4x768xf32, #tpu.memory_space<vmem>>, vector<1x16xf32>,
      %get3A_912 = vector.shape_cast %get3A_911 : vector<1x16xf32> to vector<16xf32>
      %mul3A_913 = arith.mulf %get3A_24, %get3A_912 : vector<16xf32>
      %get3A_914 = arith.constant 1 : i32
      %get3A_915 = arith.index_cast %get3A_914 : i32 to index
      %get3A_916 = arith.constant 448 : index
      %get3A_917 = tpu.vector_load %arg9[%get3A_915, %get3A_916] {strides = array<i32>} : memref<4x768xf32, #tpu.memory_space<vmem>>, vector<1x16xf32>,
      %get3A_918 = vector.shape_cast %get3A_917 : vector<1x16xf32> to vector<16xf32>
      %mul3A_919 = arith.mulf %get3A_29, %get3A_918 : vector<16xf32>
      %add3A_920 = arith.addf %mul3A_913, %mul3A_919 : vector<16xf32>
      %get3A_921 = arith.constant 2 : i32
      %get3A_922 = arith.index_cast %get3A_921 : i32 to index
      %get3A_923 = arith.constant 448 : index
      %get3A_924 = tpu.vector_load %arg9[%get3A_922, %get3A_923] {strides = array<i32>} : memref<4x768xf32, #tpu.memory_space<vmem>>, vector<1x16xf32>,
      %get3A_925 = vector.shape_cast %get3A_924 : vector<1x16xf32> to vector<16xf32>
      %mul3A_926 = arith.mulf %get3A_34, %get3A_925 : vector<16xf32>
      %add3A_927 = arith.addf %add3A_920, %mul3A_926 : vector<16xf32>
      %get3A_928 = arith.constant 3 : i32
      %get3A_929 = arith.index_cast %get3A_928 : i32 to index
      %get3A_930 = arith.constant 448 : index
      %get3A_931 = tpu.vector_load %arg9[%get3A_929, %get3A_930] {strides = array<i32>} : memref<4x768xf32, #tpu.memory_space<vmem>>, vector<1x16xf32>,
      %get3A_932 = vector.shape_cast %get3A_931 : vector<1x16xf32> to vector<16xf32>
      %mul3A_933 = arith.mulf %get3A_39, %get3A_932 : vector<16xf32>
      %add3A_934 = arith.addf %add3A_927, %mul3A_933 : vector<16xf32>
      %swap3A_935 = arith.constant 448 : index
      %swap3A_936 = tpu.vector_load %arg10[%swap3A_935] {strides = array<i32>} : memref<768xf32, #tpu.memory_space<vmem>>, vector<16xf32>,
      %swap3A_937 = vector.shape_cast %swap3A_936 : vector<16xf32> to vector<16xf32>
      %swap3A_938 = vector.shape_cast %add3A_934 : vector<16xf32> to vector<16xf32>
      tpu.vector_store %arg10[%swap3A_935], %swap3A_938 {strides = array<i32>} : memref<768xf32, #tpu.memory_space<vmem>>, vector<16xf32>,
      %get3A_939 = arith.constant 0 : i32
      %get3A_940 = arith.index_cast %get3A_939 : i32 to index
      %get3A_941 = arith.constant 464 : index
      %get3A_942 = tpu.vector_load %arg9[%get3A_940, %get3A_941] {strides = array<i32>} : memref<4x768xf32, #tpu.memory_space<vmem>>, vector<1x16xf32>,
      %get3A_943 = vector.shape_cast %get3A_942 : vector<1x16xf32> to vector<16xf32>
      %mul3A_944 = arith.mulf %get3A_24, %get3A_943 : vector<16xf32>
      %get3A_945 = arith.constant 1 : i32
      %get3A_946 = arith.index_cast %get3A_945 : i32 to index
      %get3A_947 = arith.constant 464 : index
      %get3A_948 = tpu.vector_load %arg9[%get3A_946, %get3A_947] {strides = array<i32>} : memref<4x768xf32, #tpu.memory_space<vmem>>, vector<1x16xf32>,
      %get3A_949 = vector.shape_cast %get3A_948 : vector<1x16xf32> to vector<16xf32>
      %mul3A_950 = arith.mulf %get3A_29, %get3A_949 : vector<16xf32>
      %add3A_951 = arith.addf %mul3A_944, %mul3A_950 : vector<16xf32>
      %get3A_952 = arith.constant 2 : i32
      %get3A_953 = arith.index_cast %get3A_952 : i32 to index
      %get3A_954 = arith.constant 464 : index
      %get3A_955 = tpu.vector_load %arg9[%get3A_953, %get3A_954] {strides = array<i32>} : memref<4x768xf32, #tpu.memory_space<vmem>>, vector<1x16xf32>,
      %get3A_956 = vector.shape_cast %get3A_955 : vector<1x16xf32> to vector<16xf32>
      %mul3A_957 = arith.mulf %get3A_34, %get3A_956 : vector<16xf32>
      %add3A_958 = arith.addf %add3A_951, %mul3A_957 : vector<16xf32>
      %get3A_959 = arith.constant 3 : i32
      %get3A_960 = arith.index_cast %get3A_959 : i32 to index
      %get3A_961 = arith.constant 464 : index
      %get3A_962 = tpu.vector_load %arg9[%get3A_960, %get3A_961] {strides = array<i32>} : memref<4x768xf32, #tpu.memory_space<vmem>>, vector<1x16xf32>,
      %get3A_963 = vector.shape_cast %get3A_962 : vector<1x16xf32> to vector<16xf32>
      %mul3A_964 = arith.mulf %get3A_39, %get3A_963 : vector<16xf32>
      %add3A_965 = arith.addf %add3A_958, %mul3A_964 : vector<16xf32>
      %swap3A_966 = arith.constant 464 : index
      %swap3A_967 = tpu.vector_load %arg10[%swap3A_966] {strides = array<i32>} : memref<768xf32, #tpu.memory_space<vmem>>, vector<16xf32>,
      %swap3A_968 = vector.shape_cast %swap3A_967 : vector<16xf32> to vector<16xf32>
      %swap3A_969 = vector.shape_cast %add3A_965 : vector<16xf32> to vector<16xf32>
      tpu.vector_store %arg10[%swap3A_966], %swap3A_969 {strides = array<i32>} : memref<768xf32, #tpu.memory_space<vmem>>, vector<16xf32>,
      %get3A_970 = arith.constant 0 : i32
      %get3A_971 = arith.index_cast %get3A_970 : i32 to index
      %get3A_972 = arith.constant 480 : index
      %get3A_973 = tpu.vector_load %arg9[%get3A_971, %get3A_972] {strides = array<i32>} : memref<4x768xf32, #tpu.memory_space<vmem>>, vector<1x16xf32>,
      %get3A_974 = vector.shape_cast %get3A_973 : vector<1x16xf32> to vector<16xf32>
      %mul3A_975 = arith.mulf %get3A_24, %get3A_974 : vector<16xf32>
      %get3A_976 = arith.constant 1 : i32
      %get3A_977 = arith.index_cast %get3A_976 : i32 to index
      %get3A_978 = arith.constant 480 : index
      %get3A_979 = tpu.vector_load %arg9[%get3A_977, %get3A_978] {strides = array<i32>} : memref<4x768xf32, #tpu.memory_space<vmem>>, vector<1x16xf32>,
      %get3A_980 = vector.shape_cast %get3A_979 : vector<1x16xf32> to vector<16xf32>
      %mul3A_981 = arith.mulf %get3A_29, %get3A_980 : vector<16xf32>
      %add3A_982 = arith.addf %mul3A_975, %mul3A_981 : vector<16xf32>
      %get3A_983 = arith.constant 2 : i32
      %get3A_984 = arith.index_cast %get3A_983 : i32 to index
      %get3A_985 = arith.constant 480 : index
      %get3A_986 = tpu.vector_load %arg9[%get3A_984, %get3A_985] {strides = array<i32>} : memref<4x768xf32, #tpu.memory_space<vmem>>, vector<1x16xf32>,
      %get3A_987 = vector.shape_cast %get3A_986 : vector<1x16xf32> to vector<16xf32>
      %mul3A_988 = arith.mulf %get3A_34, %get3A_987 : vector<16xf32>
      %add3A_989 = arith.addf %add3A_982, %mul3A_988 : vector<16xf32>
      %get3A_990 = arith.constant 3 : i32
      %get3A_991 = arith.index_cast %get3A_990 : i32 to index
      %get3A_992 = arith.constant 480 : index
      %get3A_993 = tpu.vector_load %arg9[%get3A_991, %get3A_992] {strides = array<i32>} : memref<4x768xf32, #tpu.memory_space<vmem>>, vector<1x16xf32>,
      %get3A_994 = vector.shape_cast %get3A_993 : vector<1x16xf32> to vector<16xf32>
      %mul3A_995 = arith.mulf %get3A_39, %get3A_994 : vector<16xf32>
      %add3A_996 = arith.addf %add3A_989, %mul3A_995 : vector<16xf32>
      %swap3A_997 = arith.constant 480 : index
      %swap3A_998 = tpu.vector_load %arg10[%swap3A_997] {strides = array<i32>} : memref<768xf32, #tpu.memory_space<vmem>>, vector<16xf32>,
      %swap3A_999 = vector.shape_cast %swap3A_998 : vector<16xf32> to vector<16xf32>
      %swap3A_1000 = vector.shape_cast %add3A_996 : vector<16xf32> to vector<16xf32>
      tpu.vector_store %arg10[%swap3A_997], %swap3A_1000 {strides = array<i32>} : memref<768xf32, #tpu.memory_space<vmem>>, vector<16xf32>,
      %get3A_1001 = arith.constant 0 : i32
      %get3A_1002 = arith.index_cast %get3A_1001 : i32 to index
      %get3A_1003 = arith.constant 496 : index
      %get3A_1004 = tpu.vector_load %arg9[%get3A_1002, %get3A_1003] {strides = array<i32>} : memref<4x768xf32, #tpu.memory_space<vmem>>, vector<1x16xf32>,
      %get3A_1005 = vector.shape_cast %get3A_1004 : vector<1x16xf32> to vector<16xf32>
      %mul3A_1006 = arith.mulf %get3A_24, %get3A_1005 : vector<16xf32>
      %get3A_1007 = arith.constant 1 : i32
      %get3A_1008 = arith.index_cast %get3A_1007 : i32 to index
      %get3A_1009 = arith.constant 496 : index
      %get3A_1010 = tpu.vector_load %arg9[%get3A_1008, %get3A_1009] {strides = array<i32>} : memref<4x768xf32, #tpu.memory_space<vmem>>, vector<1x16xf32>,
      %get3A_1011 = vector.shape_cast %get3A_1010 : vector<1x16xf32> to vector<16xf32>
      %mul3A_1012 = arith.mulf %get3A_29, %get3A_1011 : vector<16xf32>
      %add3A_1013 = arith.addf %mul3A_1006, %mul3A_1012 : vector<16xf32>
      %get3A_1014 = arith.constant 2 : i32
      %get3A_1015 = arith.index_cast %get3A_1014 : i32 to index
      %get3A_1016 = arith.constant 496 : index
      %get3A_1017 = tpu.vector_load %arg9[%get3A_1015, %get3A_1016] {strides = array<i32>} : memref<4x768xf32, #tpu.memory_space<vmem>>, vector<1x16xf32>,
      %get3A_1018 = vector.shape_cast %get3A_1017 : vector<1x16xf32> to vector<16xf32>
      %mul3A_1019 = arith.mulf %get3A_34, %get3A_1018 : vector<16xf32>
      %add3A_1020 = arith.addf %add3A_1013, %mul3A_1019 : vector<16xf32>
      %get3A_1021 = arith.constant 3 : i32
      %get3A_1022 = arith.index_cast %get3A_1021 : i32 to index
      %get3A_1023 = arith.constant 496 : index
      %get3A_1024 = tpu.vector_load %arg9[%get3A_1022, %get3A_1023] {strides = array<i32>} : memref<4x768xf32, #tpu.memory_space<vmem>>, vector<1x16xf32>,
      %get3A_1025 = vector.shape_cast %get3A_1024 : vector<1x16xf32> to vector<16xf32>
      %mul3A_1026 = arith.mulf %get3A_39, %get3A_1025 : vector<16xf32>
      %add3A_1027 = arith.addf %add3A_1020, %mul3A_1026 : vector<16xf32>
      %swap3A_1028 = arith.constant 496 : index
      %swap3A_1029 = tpu.vector_load %arg10[%swap3A_1028] {strides = array<i32>} : memref<768xf32, #tpu.memory_space<vmem>>, vector<16xf32>,
      %swap3A_1030 = vector.shape_cast %swap3A_1029 : vector<16xf32> to vector<16xf32>
      %swap3A_1031 = vector.shape_cast %add3A_1027 : vector<16xf32> to vector<16xf32>
      tpu.vector_store %arg10[%swap3A_1028], %swap3A_1031 {strides = array<i32>} : memref<768xf32, #tpu.memory_space<vmem>>, vector<16xf32>,
      %get3A_1032 = arith.constant 0 : i32
      %get3A_1033 = arith.index_cast %get3A_1032 : i32 to index
      %get3A_1034 = arith.constant 512 : index
      %get3A_1035 = tpu.vector_load %arg9[%get3A_1033, %get3A_1034] {strides = array<i32>} : memref<4x768xf32, #tpu.memory_space<vmem>>, vector<1x16xf32>,
      %get3A_1036 = vector.shape_cast %get3A_1035 : vector<1x16xf32> to vector<16xf32>
      %mul3A_1037 = arith.mulf %get3A_24, %get3A_1036 : vector<16xf32>
      %get3A_1038 = arith.constant 1 : i32
      %get3A_1039 = arith.index_cast %get3A_1038 : i32 to index
      %get3A_1040 = arith.constant 512 : index
      %get3A_1041 = tpu.vector_load %arg9[%get3A_1039, %get3A_1040] {strides = array<i32>} : memref<4x768xf32, #tpu.memory_space<vmem>>, vector<1x16xf32>,
      %get3A_1042 = vector.shape_cast %get3A_1041 : vector<1x16xf32> to vector<16xf32>
      %mul3A_1043 = arith.mulf %get3A_29, %get3A_1042 : vector<16xf32>
      %add3A_1044 = arith.addf %mul3A_1037, %mul3A_1043 : vector<16xf32>
      %get3A_1045 = arith.constant 2 : i32
      %get3A_1046 = arith.index_cast %get3A_1045 : i32 to index
      %get3A_1047 = arith.constant 512 : index
      %get3A_1048 = tpu.vector_load %arg9[%get3A_1046, %get3A_1047] {strides = array<i32>} : memref<4x768xf32, #tpu.memory_space<vmem>>, vector<1x16xf32>,
      %get3A_1049 = vector.shape_cast %get3A_1048 : vector<1x16xf32> to vector<16xf32>
      %mul3A_1050 = arith.mulf %get3A_34, %get3A_1049 : vector<16xf32>
      %add3A_1051 = arith.addf %add3A_1044, %mul3A_1050 : vector<16xf32>
      %get3A_1052 = arith.constant 3 : i32
      %get3A_1053 = arith.index_cast %get3A_1052 : i32 to index
      %get3A_1054 = arith.constant 512 : index
      %get3A_1055 = tpu.vector_load %arg9[%get3A_1053, %get3A_1054] {strides = array<i32>} : memref<4x768xf32, #tpu.memory_space<vmem>>, vector<1x16xf32>,
      %get3A_1056 = vector.shape_cast %get3A_1055 : vector<1x16xf32> to vector<16xf32>
      %mul3A_1057 = arith.mulf %get3A_39, %get3A_1056 : vector<16xf32>
      %add3A_1058 = arith.addf %add3A_1051, %mul3A_1057 : vector<16xf32>
      %swap3A_1059 = arith.constant 512 : index
      %swap3A_1060 = tpu.vector_load %arg10[%swap3A_1059] {strides = array<i32>} : memref<768xf32, #tpu.memory_space<vmem>>, vector<16xf32>,
      %swap3A_1061 = vector.shape_cast %swap3A_1060 : vector<16xf32> to vector<16xf32>
      %swap3A_1062 = vector.shape_cast %add3A_1058 : vector<16xf32> to vector<16xf32>
      tpu.vector_store %arg10[%swap3A_1059], %swap3A_1062 {strides = array<i32>} : memref<768xf32, #tpu.memory_space<vmem>>, vector<16xf32>,
      %get3A_1063 = arith.constant 0 : i32
      %get3A_1064 = arith.index_cast %get3A_1063 : i32 to index
      %get3A_1065 = arith.constant 528 : index
      %get3A_1066 = tpu.vector_load %arg9[%get3A_1064, %get3A_1065] {strides = array<i32>} : memref<4x768xf32, #tpu.memory_space<vmem>>, vector<1x16xf32>,
      %get3A_1067 = vector.shape_cast %get3A_1066 : vector<1x16xf32> to vector<16xf32>
      %mul3A_1068 = arith.mulf %get3A_24, %get3A_1067 : vector<16xf32>
      %get3A_1069 = arith.constant 1 : i32
      %get3A_1070 = arith.index_cast %get3A_1069 : i32 to index
      %get3A_1071 = arith.constant 528 : index
      %get3A_1072 = tpu.vector_load %arg9[%get3A_1070, %get3A_1071] {strides = array<i32>} : memref<4x768xf32, #tpu.memory_space<vmem>>, vector<1x16xf32>,
      %get3A_1073 = vector.shape_cast %get3A_1072 : vector<1x16xf32> to vector<16xf32>
      %mul3A_1074 = arith.mulf %get3A_29, %get3A_1073 : vector<16xf32>
      %add3A_1075 = arith.addf %mul3A_1068, %mul3A_1074 : vector<16xf32>
      %get3A_1076 = arith.constant 2 : i32
      %get3A_1077 = arith.index_cast %get3A_1076 : i32 to index
      %get3A_1078 = arith.constant 528 : index
      %get3A_1079 = tpu.vector_load %arg9[%get3A_1077, %get3A_1078] {strides = array<i32>} : memref<4x768xf32, #tpu.memory_space<vmem>>, vector<1x16xf32>,
      %get3A_1080 = vector.shape_cast %get3A_1079 : vector<1x16xf32> to vector<16xf32>
      %mul3A_1081 = arith.mulf %get3A_34, %get3A_1080 : vector<16xf32>
      %add3A_1082 = arith.addf %add3A_1075, %mul3A_1081 : vector<16xf32>
      %get3A_1083 = arith.constant 3 : i32
      %get3A_1084 = arith.index_cast %get3A_1083 : i32 to index
      %get3A_1085 = arith.constant 528 : index
      %get3A_1086 = tpu.vector_load %arg9[%get3A_1084, %get3A_1085] {strides = array<i32>} : memref<4x768xf32, #tpu.memory_space<vmem>>, vector<1x16xf32>,
      %get3A_1087 = vector.shape_cast %get3A_1086 : vector<1x16xf32> to vector<16xf32>
      %mul3A_1088 = arith.mulf %get3A_39, %get3A_1087 : vector<16xf32>
      %add3A_1089 = arith.addf %add3A_1082, %mul3A_1088 : vector<16xf32>
      %swap3A_1090 = arith.constant 528 : index
      %swap3A_1091 = tpu.vector_load %arg10[%swap3A_1090] {strides = array<i32>} : memref<768xf32, #tpu.memory_space<vmem>>, vector<16xf32>,
      %swap3A_1092 = vector.shape_cast %swap3A_1091 : vector<16xf32> to vector<16xf32>
      %swap3A_1093 = vector.shape_cast %add3A_1089 : vector<16xf32> to vector<16xf32>
      tpu.vector_store %arg10[%swap3A_1090], %swap3A_1093 {strides = array<i32>} : memref<768xf32, #tpu.memory_space<vmem>>, vector<16xf32>,
      %get3A_1094 = arith.constant 0 : i32
      %get3A_1095 = arith.index_cast %get3A_1094 : i32 to index
      %get3A_1096 = arith.constant 544 : index
      %get3A_1097 = tpu.vector_load %arg9[%get3A_1095, %get3A_1096] {strides = array<i32>} : memref<4x768xf32, #tpu.memory_space<vmem>>, vector<1x16xf32>,
      %get3A_1098 = vector.shape_cast %get3A_1097 : vector<1x16xf32> to vector<16xf32>
      %mul3A_1099 = arith.mulf %get3A_24, %get3A_1098 : vector<16xf32>
      %get3A_1100 = arith.constant 1 : i32
      %get3A_1101 = arith.index_cast %get3A_1100 : i32 to index
      %get3A_1102 = arith.constant 544 : index
      %get3A_1103 = tpu.vector_load %arg9[%get3A_1101, %get3A_1102] {strides = array<i32>} : memref<4x768xf32, #tpu.memory_space<vmem>>, vector<1x16xf32>,
      %get3A_1104 = vector.shape_cast %get3A_1103 : vector<1x16xf32> to vector<16xf32>
      %mul3A_1105 = arith.mulf %get3A_29, %get3A_1104 : vector<16xf32>
      %add3A_1106 = arith.addf %mul3A_1099, %mul3A_1105 : vector<16xf32>
      %get3A_1107 = arith.constant 2 : i32
      %get3A_1108 = arith.index_cast %get3A_1107 : i32 to index
      %get3A_1109 = arith.constant 544 : index
      %get3A_1110 = tpu.vector_load %arg9[%get3A_1108, %get3A_1109] {strides = array<i32>} : memref<4x768xf32, #tpu.memory_space<vmem>>, vector<1x16xf32>,
      %get3A_1111 = vector.shape_cast %get3A_1110 : vector<1x16xf32> to vector<16xf32>
      %mul3A_1112 = arith.mulf %get3A_34, %get3A_1111 : vector<16xf32>
      %add3A_1113 = arith.addf %add3A_1106, %mul3A_1112 : vector<16xf32>
      %get3A_1114 = arith.constant 3 : i32
      %get3A_1115 = arith.index_cast %get3A_1114 : i32 to index
      %get3A_1116 = arith.constant 544 : index
      %get3A_1117 = tpu.vector_load %arg9[%get3A_1115, %get3A_1116] {strides = array<i32>} : memref<4x768xf32, #tpu.memory_space<vmem>>, vector<1x16xf32>,
      %get3A_1118 = vector.shape_cast %get3A_1117 : vector<1x16xf32> to vector<16xf32>
      %mul3A_1119 = arith.mulf %get3A_39, %get3A_1118 : vector<16xf32>
      %add3A_1120 = arith.addf %add3A_1113, %mul3A_1119 : vector<16xf32>
      %swap3A_1121 = arith.constant 544 : index
      %swap3A_1122 = tpu.vector_load %arg10[%swap3A_1121] {strides = array<i32>} : memref<768xf32, #tpu.memory_space<vmem>>, vector<16xf32>,
      %swap3A_1123 = vector.shape_cast %swap3A_1122 : vector<16xf32> to vector<16xf32>
      %swap3A_1124 = vector.shape_cast %add3A_1120 : vector<16xf32> to vector<16xf32>
      tpu.vector_store %arg10[%swap3A_1121], %swap3A_1124 {strides = array<i32>} : memref<768xf32, #tpu.memory_space<vmem>>, vector<16xf32>,
      %get3A_1125 = arith.constant 0 : i32
      %get3A_1126 = arith.index_cast %get3A_1125 : i32 to index
      %get3A_1127 = arith.constant 560 : index
      %get3A_1128 = tpu.vector_load %arg9[%get3A_1126, %get3A_1127] {strides = array<i32>} : memref<4x768xf32, #tpu.memory_space<vmem>>, vector<1x16xf32>,
      %get3A_1129 = vector.shape_cast %get3A_1128 : vector<1x16xf32> to vector<16xf32>
      %mul3A_1130 = arith.mulf %get3A_24, %get3A_1129 : vector<16xf32>
      %get3A_1131 = arith.constant 1 : i32
      %get3A_1132 = arith.index_cast %get3A_1131 : i32 to index
      %get3A_1133 = arith.constant 560 : index
      %get3A_1134 = tpu.vector_load %arg9[%get3A_1132, %get3A_1133] {strides = array<i32>} : memref<4x768xf32, #tpu.memory_space<vmem>>, vector<1x16xf32>,
      %get3A_1135 = vector.shape_cast %get3A_1134 : vector<1x16xf32> to vector<16xf32>
      %mul3A_1136 = arith.mulf %get3A_29, %get3A_1135 : vector<16xf32>
      %add3A_1137 = arith.addf %mul3A_1130, %mul3A_1136 : vector<16xf32>
      %get3A_1138 = arith.constant 2 : i32
      %get3A_1139 = arith.index_cast %get3A_1138 : i32 to index
      %get3A_1140 = arith.constant 560 : index
      %get3A_1141 = tpu.vector_load %arg9[%get3A_1139, %get3A_1140] {strides = array<i32>} : memref<4x768xf32, #tpu.memory_space<vmem>>, vector<1x16xf32>,
      %get3A_1142 = vector.shape_cast %get3A_1141 : vector<1x16xf32> to vector<16xf32>
      %mul3A_1143 = arith.mulf %get3A_34, %get3A_1142 : vector<16xf32>
      %add3A_1144 = arith.addf %add3A_1137, %mul3A_1143 : vector<16xf32>
      %get3A_1145 = arith.constant 3 : i32
      %get3A_1146 = arith.index_cast %get3A_1145 : i32 to index
      %get3A_1147 = arith.constant 560 : index
      %get3A_1148 = tpu.vector_load %arg9[%get3A_1146, %get3A_1147] {strides = array<i32>} : memref<4x768xf32, #tpu.memory_space<vmem>>, vector<1x16xf32>,
      %get3A_1149 = vector.shape_cast %get3A_1148 : vector<1x16xf32> to vector<16xf32>
      %mul3A_1150 = arith.mulf %get3A_39, %get3A_1149 : vector<16xf32>
      %add3A_1151 = arith.addf %add3A_1144, %mul3A_1150 : vector<16xf32>
      %swap3A_1152 = arith.constant 560 : index
      %swap3A_1153 = tpu.vector_load %arg10[%swap3A_1152] {strides = array<i32>} : memref<768xf32, #tpu.memory_space<vmem>>, vector<16xf32>,
      %swap3A_1154 = vector.shape_cast %swap3A_1153 : vector<16xf32> to vector<16xf32>
      %swap3A_1155 = vector.shape_cast %add3A_1151 : vector<16xf32> to vector<16xf32>
      tpu.vector_store %arg10[%swap3A_1152], %swap3A_1155 {strides = array<i32>} : memref<768xf32, #tpu.memory_space<vmem>>, vector<16xf32>,
      %get3A_1156 = arith.constant 0 : i32
      %get3A_1157 = arith.index_cast %get3A_1156 : i32 to index
      %get3A_1158 = arith.constant 576 : index
      %get3A_1159 = tpu.vector_load %arg9[%get3A_1157, %get3A_1158] {strides = array<i32>} : memref<4x768xf32, #tpu.memory_space<vmem>>, vector<1x16xf32>,
      %get3A_1160 = vector.shape_cast %get3A_1159 : vector<1x16xf32> to vector<16xf32>
      %mul3A_1161 = arith.mulf %get3A_24, %get3A_1160 : vector<16xf32>
      %get3A_1162 = arith.constant 1 : i32
      %get3A_1163 = arith.index_cast %get3A_1162 : i32 to index
      %get3A_1164 = arith.constant 576 : index
      %get3A_1165 = tpu.vector_load %arg9[%get3A_1163, %get3A_1164] {strides = array<i32>} : memref<4x768xf32, #tpu.memory_space<vmem>>, vector<1x16xf32>,
      %get3A_1166 = vector.shape_cast %get3A_1165 : vector<1x16xf32> to vector<16xf32>
      %mul3A_1167 = arith.mulf %get3A_29, %get3A_1166 : vector<16xf32>
      %add3A_1168 = arith.addf %mul3A_1161, %mul3A_1167 : vector<16xf32>
      %get3A_1169 = arith.constant 2 : i32
      %get3A_1170 = arith.index_cast %get3A_1169 : i32 to index
      %get3A_1171 = arith.constant 576 : index
      %get3A_1172 = tpu.vector_load %arg9[%get3A_1170, %get3A_1171] {strides = array<i32>} : memref<4x768xf32, #tpu.memory_space<vmem>>, vector<1x16xf32>,
      %get3A_1173 = vector.shape_cast %get3A_1172 : vector<1x16xf32> to vector<16xf32>
      %mul3A_1174 = arith.mulf %get3A_34, %get3A_1173 : vector<16xf32>
      %add3A_1175 = arith.addf %add3A_1168, %mul3A_1174 : vector<16xf32>
      %get3A_1176 = arith.constant 3 : i32
      %get3A_1177 = arith.index_cast %get3A_1176 : i32 to index
      %get3A_1178 = arith.constant 576 : index
      %get3A_1179 = tpu.vector_load %arg9[%get3A_1177, %get3A_1178] {strides = array<i32>} : memref<4x768xf32, #tpu.memory_space<vmem>>, vector<1x16xf32>,
      %get3A_1180 = vector.shape_cast %get3A_1179 : vector<1x16xf32> to vector<16xf32>
      %mul3A_1181 = arith.mulf %get3A_39, %get3A_1180 : vector<16xf32>
      %add3A_1182 = arith.addf %add3A_1175, %mul3A_1181 : vector<16xf32>
      %swap3A_1183 = arith.constant 576 : index
      %swap3A_1184 = tpu.vector_load %arg10[%swap3A_1183] {strides = array<i32>} : memref<768xf32, #tpu.memory_space<vmem>>, vector<16xf32>,
      %swap3A_1185 = vector.shape_cast %swap3A_1184 : vector<16xf32> to vector<16xf32>
      %swap3A_1186 = vector.shape_cast %add3A_1182 : vector<16xf32> to vector<16xf32>
      tpu.vector_store %arg10[%swap3A_1183], %swap3A_1186 {strides = array<i32>} : memref<768xf32, #tpu.memory_space<vmem>>, vector<16xf32>,
      %get3A_1187 = arith.constant 0 : i32
      %get3A_1188 = arith.index_cast %get3A_1187 : i32 to index
      %get3A_1189 = arith.constant 592 : index
      %get3A_1190 = tpu.vector_load %arg9[%get3A_1188, %get3A_1189] {strides = array<i32>} : memref<4x768xf32, #tpu.memory_space<vmem>>, vector<1x16xf32>,
      %get3A_1191 = vector.shape_cast %get3A_1190 : vector<1x16xf32> to vector<16xf32>
      %mul3A_1192 = arith.mulf %get3A_24, %get3A_1191 : vector<16xf32>
      %get3A_1193 = arith.constant 1 : i32
      %get3A_1194 = arith.index_cast %get3A_1193 : i32 to index
      %get3A_1195 = arith.constant 592 : index
      %get3A_1196 = tpu.vector_load %arg9[%get3A_1194, %get3A_1195] {strides = array<i32>} : memref<4x768xf32, #tpu.memory_space<vmem>>, vector<1x16xf32>,
      %get3A_1197 = vector.shape_cast %get3A_1196 : vector<1x16xf32> to vector<16xf32>
      %mul3A_1198 = arith.mulf %get3A_29, %get3A_1197 : vector<16xf32>
      %add3A_1199 = arith.addf %mul3A_1192, %mul3A_1198 : vector<16xf32>
      %get3A_1200 = arith.constant 2 : i32
      %get3A_1201 = arith.index_cast %get3A_1200 : i32 to index
      %get3A_1202 = arith.constant 592 : index
      %get3A_1203 = tpu.vector_load %arg9[%get3A_1201, %get3A_1202] {strides = array<i32>} : memref<4x768xf32, #tpu.memory_space<vmem>>, vector<1x16xf32>,
      %get3A_1204 = vector.shape_cast %get3A_1203 : vector<1x16xf32> to vector<16xf32>
      %mul3A_1205 = arith.mulf %get3A_34, %get3A_1204 : vector<16xf32>
      %add3A_1206 = arith.addf %add3A_1199, %mul3A_1205 : vector<16xf32>
      %get3A_1207 = arith.constant 3 : i32
      %get3A_1208 = arith.index_cast %get3A_1207 : i32 to index
      %get3A_1209 = arith.constant 592 : index
      %get3A_1210 = tpu.vector_load %arg9[%get3A_1208, %get3A_1209] {strides = array<i32>} : memref<4x768xf32, #tpu.memory_space<vmem>>, vector<1x16xf32>,
      %get3A_1211 = vector.shape_cast %get3A_1210 : vector<1x16xf32> to vector<16xf32>
      %mul3A_1212 = arith.mulf %get3A_39, %get3A_1211 : vector<16xf32>
      %add3A_1213 = arith.addf %add3A_1206, %mul3A_1212 : vector<16xf32>
      %swap3A_1214 = arith.constant 592 : index
      %swap3A_1215 = tpu.vector_load %arg10[%swap3A_1214] {strides = array<i32>} : memref<768xf32, #tpu.memory_space<vmem>>, vector<16xf32>,
      %swap3A_1216 = vector.shape_cast %swap3A_1215 : vector<16xf32> to vector<16xf32>
      %swap3A_1217 = vector.shape_cast %add3A_1213 : vector<16xf32> to vector<16xf32>
      tpu.vector_store %arg10[%swap3A_1214], %swap3A_1217 {strides = array<i32>} : memref<768xf32, #tpu.memory_space<vmem>>, vector<16xf32>,
      %get3A_1218 = arith.constant 0 : i32
      %get3A_1219 = arith.index_cast %get3A_1218 : i32 to index
      %get3A_1220 = arith.constant 608 : index
      %get3A_1221 = tpu.vector_load %arg9[%get3A_1219, %get3A_1220] {strides = array<i32>} : memref<4x768xf32, #tpu.memory_space<vmem>>, vector<1x16xf32>,
      %get3A_1222 = vector.shape_cast %get3A_1221 : vector<1x16xf32> to vector<16xf32>
      %mul3A_1223 = arith.mulf %get3A_24, %get3A_1222 : vector<16xf32>
      %get3A_1224 = arith.constant 1 : i32
      %get3A_1225 = arith.index_cast %get3A_1224 : i32 to index
      %get3A_1226 = arith.constant 608 : index
      %get3A_1227 = tpu.vector_load %arg9[%get3A_1225, %get3A_1226] {strides = array<i32>} : memref<4x768xf32, #tpu.memory_space<vmem>>, vector<1x16xf32>,
      %get3A_1228 = vector.shape_cast %get3A_1227 : vector<1x16xf32> to vector<16xf32>
      %mul3A_1229 = arith.mulf %get3A_29, %get3A_1228 : vector<16xf32>
      %add3A_1230 = arith.addf %mul3A_1223, %mul3A_1229 : vector<16xf32>
      %get3A_1231 = arith.constant 2 : i32
      %get3A_1232 = arith.index_cast %get3A_1231 : i32 to index
      %get3A_1233 = arith.constant 608 : index
      %get3A_1234 = tpu.vector_load %arg9[%get3A_1232, %get3A_1233] {strides = array<i32>} : memref<4x768xf32, #tpu.memory_space<vmem>>, vector<1x16xf32>,
      %get3A_1235 = vector.shape_cast %get3A_1234 : vector<1x16xf32> to vector<16xf32>
      %mul3A_1236 = arith.mulf %get3A_34, %get3A_1235 : vector<16xf32>
      %add3A_1237 = arith.addf %add3A_1230, %mul3A_1236 : vector<16xf32>
      %get3A_1238 = arith.constant 3 : i32
      %get3A_1239 = arith.index_cast %get3A_1238 : i32 to index
      %get3A_1240 = arith.constant 608 : index
      %get3A_1241 = tpu.vector_load %arg9[%get3A_1239, %get3A_1240] {strides = array<i32>} : memref<4x768xf32, #tpu.memory_space<vmem>>, vector<1x16xf32>,
      %get3A_1242 = vector.shape_cast %get3A_1241 : vector<1x16xf32> to vector<16xf32>
      %mul3A_1243 = arith.mulf %get3A_39, %get3A_1242 : vector<16xf32>
      %add3A_1244 = arith.addf %add3A_1237, %mul3A_1243 : vector<16xf32>
      %swap3A_1245 = arith.constant 608 : index
      %swap3A_1246 = tpu.vector_load %arg10[%swap3A_1245] {strides = array<i32>} : memref<768xf32, #tpu.memory_space<vmem>>, vector<16xf32>,
      %swap3A_1247 = vector.shape_cast %swap3A_1246 : vector<16xf32> to vector<16xf32>
      %swap3A_1248 = vector.shape_cast %add3A_1244 : vector<16xf32> to vector<16xf32>
      tpu.vector_store %arg10[%swap3A_1245], %swap3A_1248 {strides = array<i32>} : memref<768xf32, #tpu.memory_space<vmem>>, vector<16xf32>,
      %get3A_1249 = arith.constant 0 : i32
      %get3A_1250 = arith.index_cast %get3A_1249 : i32 to index
      %get3A_1251 = arith.constant 624 : index
      %get3A_1252 = tpu.vector_load %arg9[%get3A_1250, %get3A_1251] {strides = array<i32>} : memref<4x768xf32, #tpu.memory_space<vmem>>, vector<1x16xf32>,
      %get3A_1253 = vector.shape_cast %get3A_1252 : vector<1x16xf32> to vector<16xf32>
      %mul3A_1254 = arith.mulf %get3A_24, %get3A_1253 : vector<16xf32>
      %get3A_1255 = arith.constant 1 : i32
      %get3A_1256 = arith.index_cast %get3A_1255 : i32 to index
      %get3A_1257 = arith.constant 624 : index
      %get3A_1258 = tpu.vector_load %arg9[%get3A_1256, %get3A_1257] {strides = array<i32>} : memref<4x768xf32, #tpu.memory_space<vmem>>, vector<1x16xf32>,
      %get3A_1259 = vector.shape_cast %get3A_1258 : vector<1x16xf32> to vector<16xf32>
      %mul3A_1260 = arith.mulf %get3A_29, %get3A_1259 : vector<16xf32>
      %add3A_1261 = arith.addf %mul3A_1254, %mul3A_1260 : vector<16xf32>
      %get3A_1262 = arith.constant 2 : i32
      %get3A_1263 = arith.index_cast %get3A_1262 : i32 to index
      %get3A_1264 = arith.constant 624 : index
      %get3A_1265 = tpu.vector_load %arg9[%get3A_1263, %get3A_1264] {strides = array<i32>} : memref<4x768xf32, #tpu.memory_space<vmem>>, vector<1x16xf32>,
      %get3A_1266 = vector.shape_cast %get3A_1265 : vector<1x16xf32> to vector<16xf32>
      %mul3A_1267 = arith.mulf %get3A_34, %get3A_1266 : vector<16xf32>
      %add3A_1268 = arith.addf %add3A_1261, %mul3A_1267 : vector<16xf32>
      %get3A_1269 = arith.constant 3 : i32
      %get3A_1270 = arith.index_cast %get3A_1269 : i32 to index
      %get3A_1271 = arith.constant 624 : index
      %get3A_1272 = tpu.vector_load %arg9[%get3A_1270, %get3A_1271] {strides = array<i32>} : memref<4x768xf32, #tpu.memory_space<vmem>>, vector<1x16xf32>,
      %get3A_1273 = vector.shape_cast %get3A_1272 : vector<1x16xf32> to vector<16xf32>
      %mul3A_1274 = arith.mulf %get3A_39, %get3A_1273 : vector<16xf32>
      %add3A_1275 = arith.addf %add3A_1268, %mul3A_1274 : vector<16xf32>
      %swap3A_1276 = arith.constant 624 : index
      %swap3A_1277 = tpu.vector_load %arg10[%swap3A_1276] {strides = array<i32>} : memref<768xf32, #tpu.memory_space<vmem>>, vector<16xf32>,
      %swap3A_1278 = vector.shape_cast %swap3A_1277 : vector<16xf32> to vector<16xf32>
      %swap3A_1279 = vector.shape_cast %add3A_1275 : vector<16xf32> to vector<16xf32>
      tpu.vector_store %arg10[%swap3A_1276], %swap3A_1279 {strides = array<i32>} : memref<768xf32, #tpu.memory_space<vmem>>, vector<16xf32>,
      %get3A_1280 = arith.constant 0 : i32
      %get3A_1281 = arith.index_cast %get3A_1280 : i32 to index
      %get3A_1282 = arith.constant 640 : index
      %get3A_1283 = tpu.vector_load %arg9[%get3A_1281, %get3A_1282] {strides = array<i32>} : memref<4x768xf32, #tpu.memory_space<vmem>>, vector<1x16xf32>,
      %get3A_1284 = vector.shape_cast %get3A_1283 : vector<1x16xf32> to vector<16xf32>
      %mul3A_1285 = arith.mulf %get3A_24, %get3A_1284 : vector<16xf32>
      %get3A_1286 = arith.constant 1 : i32
      %get3A_1287 = arith.index_cast %get3A_1286 : i32 to index
      %get3A_1288 = arith.constant 640 : index
      %get3A_1289 = tpu.vector_load %arg9[%get3A_1287, %get3A_1288] {strides = array<i32>} : memref<4x768xf32, #tpu.memory_space<vmem>>, vector<1x16xf32>,
      %get3A_1290 = vector.shape_cast %get3A_1289 : vector<1x16xf32> to vector<16xf32>
      %mul3A_1291 = arith.mulf %get3A_29, %get3A_1290 : vector<16xf32>
      %add3A_1292 = arith.addf %mul3A_1285, %mul3A_1291 : vector<16xf32>
      %get3A_1293 = arith.constant 2 : i32
      %get3A_1294 = arith.index_cast %get3A_1293 : i32 to index
      %get3A_1295 = arith.constant 640 : index
      %get3A_1296 = tpu.vector_load %arg9[%get3A_1294, %get3A_1295] {strides = array<i32>} : memref<4x768xf32, #tpu.memory_space<vmem>>, vector<1x16xf32>,
      %get3A_1297 = vector.shape_cast %get3A_1296 : vector<1x16xf32> to vector<16xf32>
      %mul3A_1298 = arith.mulf %get3A_34, %get3A_1297 : vector<16xf32>
      %add3A_1299 = arith.addf %add3A_1292, %mul3A_1298 : vector<16xf32>
      %get3A_1300 = arith.constant 3 : i32
      %get3A_1301 = arith.index_cast %get3A_1300 : i32 to index
      %get3A_1302 = arith.constant 640 : index
      %get3A_1303 = tpu.vector_load %arg9[%get3A_1301, %get3A_1302] {strides = array<i32>} : memref<4x768xf32, #tpu.memory_space<vmem>>, vector<1x16xf32>,
      %get3A_1304 = vector.shape_cast %get3A_1303 : vector<1x16xf32> to vector<16xf32>
      %mul3A_1305 = arith.mulf %get3A_39, %get3A_1304 : vector<16xf32>
      %add3A_1306 = arith.addf %add3A_1299, %mul3A_1305 : vector<16xf32>
      %swap3A_1307 = arith.constant 640 : index
      %swap3A_1308 = tpu.vector_load %arg10[%swap3A_1307] {strides = array<i32>} : memref<768xf32, #tpu.memory_space<vmem>>, vector<16xf32>,
      %swap3A_1309 = vector.shape_cast %swap3A_1308 : vector<16xf32> to vector<16xf32>
      %swap3A_1310 = vector.shape_cast %add3A_1306 : vector<16xf32> to vector<16xf32>
      tpu.vector_store %arg10[%swap3A_1307], %swap3A_1310 {strides = array<i32>} : memref<768xf32, #tpu.memory_space<vmem>>, vector<16xf32>,
      %get3A_1311 = arith.constant 0 : i32
      %get3A_1312 = arith.index_cast %get3A_1311 : i32 to index
      %get3A_1313 = arith.constant 656 : index
      %get3A_1314 = tpu.vector_load %arg9[%get3A_1312, %get3A_1313] {strides = array<i32>} : memref<4x768xf32, #tpu.memory_space<vmem>>, vector<1x16xf32>,
      %get3A_1315 = vector.shape_cast %get3A_1314 : vector<1x16xf32> to vector<16xf32>
      %mul3A_1316 = arith.mulf %get3A_24, %get3A_1315 : vector<16xf32>
      %get3A_1317 = arith.constant 1 : i32
      %get3A_1318 = arith.index_cast %get3A_1317 : i32 to index
      %get3A_1319 = arith.constant 656 : index
      %get3A_1320 = tpu.vector_load %arg9[%get3A_1318, %get3A_1319] {strides = array<i32>} : memref<4x768xf32, #tpu.memory_space<vmem>>, vector<1x16xf32>,
      %get3A_1321 = vector.shape_cast %get3A_1320 : vector<1x16xf32> to vector<16xf32>
      %mul3A_1322 = arith.mulf %get3A_29, %get3A_1321 : vector<16xf32>
      %add3A_1323 = arith.addf %mul3A_1316, %mul3A_1322 : vector<16xf32>
      %get3A_1324 = arith.constant 2 : i32
      %get3A_1325 = arith.index_cast %get3A_1324 : i32 to index
      %get3A_1326 = arith.constant 656 : index
      %get3A_1327 = tpu.vector_load %arg9[%get3A_1325, %get3A_1326] {strides = array<i32>} : memref<4x768xf32, #tpu.memory_space<vmem>>, vector<1x16xf32>,
      %get3A_1328 = vector.shape_cast %get3A_1327 : vector<1x16xf32> to vector<16xf32>
      %mul3A_1329 = arith.mulf %get3A_34, %get3A_1328 : vector<16xf32>
      %add3A_1330 = arith.addf %add3A_1323, %mul3A_1329 : vector<16xf32>
      %get3A_1331 = arith.constant 3 : i32
      %get3A_1332 = arith.index_cast %get3A_1331 : i32 to index
      %get3A_1333 = arith.constant 656 : index
      %get3A_1334 = tpu.vector_load %arg9[%get3A_1332, %get3A_1333] {strides = array<i32>} : memref<4x768xf32, #tpu.memory_space<vmem>>, vector<1x16xf32>,
      %get3A_1335 = vector.shape_cast %get3A_1334 : vector<1x16xf32> to vector<16xf32>
      %mul3A_1336 = arith.mulf %get3A_39, %get3A_1335 : vector<16xf32>
      %add3A_1337 = arith.addf %add3A_1330, %mul3A_1336 : vector<16xf32>
      %swap3A_1338 = arith.constant 656 : index
      %swap3A_1339 = tpu.vector_load %arg10[%swap3A_1338] {strides = array<i32>} : memref<768xf32, #tpu.memory_space<vmem>>, vector<16xf32>,
      %swap3A_1340 = vector.shape_cast %swap3A_1339 : vector<16xf32> to vector<16xf32>
      %swap3A_1341 = vector.shape_cast %add3A_1337 : vector<16xf32> to vector<16xf32>
      tpu.vector_store %arg10[%swap3A_1338], %swap3A_1341 {strides = array<i32>} : memref<768xf32, #tpu.memory_space<vmem>>, vector<16xf32>,
      %get3A_1342 = arith.constant 0 : i32
      %get3A_1343 = arith.index_cast %get3A_1342 : i32 to index
      %get3A_1344 = arith.constant 672 : index
      %get3A_1345 = tpu.vector_load %arg9[%get3A_1343, %get3A_1344] {strides = array<i32>} : memref<4x768xf32, #tpu.memory_space<vmem>>, vector<1x16xf32>,
      %get3A_1346 = vector.shape_cast %get3A_1345 : vector<1x16xf32> to vector<16xf32>
      %mul3A_1347 = arith.mulf %get3A_24, %get3A_1346 : vector<16xf32>
      %get3A_1348 = arith.constant 1 : i32
      %get3A_1349 = arith.index_cast %get3A_1348 : i32 to index
      %get3A_1350 = arith.constant 672 : index
      %get3A_1351 = tpu.vector_load %arg9[%get3A_1349, %get3A_1350] {strides = array<i32>} : memref<4x768xf32, #tpu.memory_space<vmem>>, vector<1x16xf32>,
      %get3A_1352 = vector.shape_cast %get3A_1351 : vector<1x16xf32> to vector<16xf32>
      %mul3A_1353 = arith.mulf %get3A_29, %get3A_1352 : vector<16xf32>
      %add3A_1354 = arith.addf %mul3A_1347, %mul3A_1353 : vector<16xf32>
      %get3A_1355 = arith.constant 2 : i32
      %get3A_1356 = arith.index_cast %get3A_1355 : i32 to index
      %get3A_1357 = arith.constant 672 : index
      %get3A_1358 = tpu.vector_load %arg9[%get3A_1356, %get3A_1357] {strides = array<i32>} : memref<4x768xf32, #tpu.memory_space<vmem>>, vector<1x16xf32>,
      %get3A_1359 = vector.shape_cast %get3A_1358 : vector<1x16xf32> to vector<16xf32>
      %mul3A_1360 = arith.mulf %get3A_34, %get3A_1359 : vector<16xf32>
      %add3A_1361 = arith.addf %add3A_1354, %mul3A_1360 : vector<16xf32>
      %get3A_1362 = arith.constant 3 : i32
      %get3A_1363 = arith.index_cast %get3A_1362 : i32 to index
      %get3A_1364 = arith.constant 672 : index
      %get3A_1365 = tpu.vector_load %arg9[%get3A_1363, %get3A_1364] {strides = array<i32>} : memref<4x768xf32, #tpu.memory_space<vmem>>, vector<1x16xf32>,
      %get3A_1366 = vector.shape_cast %get3A_1365 : vector<1x16xf32> to vector<16xf32>
      %mul3A_1367 = arith.mulf %get3A_39, %get3A_1366 : vector<16xf32>
      %add3A_1368 = arith.addf %add3A_1361, %mul3A_1367 : vector<16xf32>
      %swap3A_1369 = arith.constant 672 : index
      %swap3A_1370 = tpu.vector_load %arg10[%swap3A_1369] {strides = array<i32>} : memref<768xf32, #tpu.memory_space<vmem>>, vector<16xf32>,
      %swap3A_1371 = vector.shape_cast %swap3A_1370 : vector<16xf32> to vector<16xf32>
      %swap3A_1372 = vector.shape_cast %add3A_1368 : vector<16xf32> to vector<16xf32>
      tpu.vector_store %arg10[%swap3A_1369], %swap3A_1372 {strides = array<i32>} : memref<768xf32, #tpu.memory_space<vmem>>, vector<16xf32>,
      %get3A_1373 = arith.constant 0 : i32
      %get3A_1374 = arith.index_cast %get3A_1373 : i32 to index
      %get3A_1375 = arith.constant 688 : index
      %get3A_1376 = tpu.vector_load %arg9[%get3A_1374, %get3A_1375] {strides = array<i32>} : memref<4x768xf32, #tpu.memory_space<vmem>>, vector<1x16xf32>,
      %get3A_1377 = vector.shape_cast %get3A_1376 : vector<1x16xf32> to vector<16xf32>
      %mul3A_1378 = arith.mulf %get3A_24, %get3A_1377 : vector<16xf32>
      %get3A_1379 = arith.constant 1 : i32
      %get3A_1380 = arith.index_cast %get3A_1379 : i32 to index
      %get3A_1381 = arith.constant 688 : index
      %get3A_1382 = tpu.vector_load %arg9[%get3A_1380, %get3A_1381] {strides = array<i32>} : memref<4x768xf32, #tpu.memory_space<vmem>>, vector<1x16xf32>,
      %get3A_1383 = vector.shape_cast %get3A_1382 : vector<1x16xf32> to vector<16xf32>
      %mul3A_1384 = arith.mulf %get3A_29, %get3A_1383 : vector<16xf32>
      %add3A_1385 = arith.addf %mul3A_1378, %mul3A_1384 : vector<16xf32>
      %get3A_1386 = arith.constant 2 : i32
      %get3A_1387 = arith.index_cast %get3A_1386 : i32 to index
      %get3A_1388 = arith.constant 688 : index
      %get3A_1389 = tpu.vector_load %arg9[%get3A_1387, %get3A_1388] {strides = array<i32>} : memref<4x768xf32, #tpu.memory_space<vmem>>, vector<1x16xf32>,
      %get3A_1390 = vector.shape_cast %get3A_1389 : vector<1x16xf32> to vector<16xf32>
      %mul3A_1391 = arith.mulf %get3A_34, %get3A_1390 : vector<16xf32>
      %add3A_1392 = arith.addf %add3A_1385, %mul3A_1391 : vector<16xf32>
      %get3A_1393 = arith.constant 3 : i32
      %get3A_1394 = arith.index_cast %get3A_1393 : i32 to index
      %get3A_1395 = arith.constant 688 : index
      %get3A_1396 = tpu.vector_load %arg9[%get3A_1394, %get3A_1395] {strides = array<i32>} : memref<4x768xf32, #tpu.memory_space<vmem>>, vector<1x16xf32>,
      %get3A_1397 = vector.shape_cast %get3A_1396 : vector<1x16xf32> to vector<16xf32>
      %mul3A_1398 = arith.mulf %get3A_39, %get3A_1397 : vector<16xf32>
      %add3A_1399 = arith.addf %add3A_1392, %mul3A_1398 : vector<16xf32>
      %swap3A_1400 = arith.constant 688 : index
      %swap3A_1401 = tpu.vector_load %arg10[%swap3A_1400] {strides = array<i32>} : memref<768xf32, #tpu.memory_space<vmem>>, vector<16xf32>,
      %swap3A_1402 = vector.shape_cast %swap3A_1401 : vector<16xf32> to vector<16xf32>
      %swap3A_1403 = vector.shape_cast %add3A_1399 : vector<16xf32> to vector<16xf32>
      tpu.vector_store %arg10[%swap3A_1400], %swap3A_1403 {strides = array<i32>} : memref<768xf32, #tpu.memory_space<vmem>>, vector<16xf32>,
      %get3A_1404 = arith.constant 0 : i32
      %get3A_1405 = arith.index_cast %get3A_1404 : i32 to index
      %get3A_1406 = arith.constant 704 : index
      %get3A_1407 = tpu.vector_load %arg9[%get3A_1405, %get3A_1406] {strides = array<i32>} : memref<4x768xf32, #tpu.memory_space<vmem>>, vector<1x16xf32>,
      %get3A_1408 = vector.shape_cast %get3A_1407 : vector<1x16xf32> to vector<16xf32>
      %mul3A_1409 = arith.mulf %get3A_24, %get3A_1408 : vector<16xf32>
      %get3A_1410 = arith.constant 1 : i32
      %get3A_1411 = arith.index_cast %get3A_1410 : i32 to index
      %get3A_1412 = arith.constant 704 : index
      %get3A_1413 = tpu.vector_load %arg9[%get3A_1411, %get3A_1412] {strides = array<i32>} : memref<4x768xf32, #tpu.memory_space<vmem>>, vector<1x16xf32>,
      %get3A_1414 = vector.shape_cast %get3A_1413 : vector<1x16xf32> to vector<16xf32>
      %mul3A_1415 = arith.mulf %get3A_29, %get3A_1414 : vector<16xf32>
      %add3A_1416 = arith.addf %mul3A_1409, %mul3A_1415 : vector<16xf32>
      %get3A_1417 = arith.constant 2 : i32
      %get3A_1418 = arith.index_cast %get3A_1417 : i32 to index
      %get3A_1419 = arith.constant 704 : index
      %get3A_1420 = tpu.vector_load %arg9[%get3A_1418, %get3A_1419] {strides = array<i32>} : memref<4x768xf32, #tpu.memory_space<vmem>>, vector<1x16xf32>,
      %get3A_1421 = vector.shape_cast %get3A_1420 : vector<1x16xf32> to vector<16xf32>
      %mul3A_1422 = arith.mulf %get3A_34, %get3A_1421 : vector<16xf32>
      %add3A_1423 = arith.addf %add3A_1416, %mul3A_1422 : vector<16xf32>
      %get3A_1424 = arith.constant 3 : i32
      %get3A_1425 = arith.index_cast %get3A_1424 : i32 to index
      %get3A_1426 = arith.constant 704 : index
      %get3A_1427 = tpu.vector_load %arg9[%get3A_1425, %get3A_1426] {strides = array<i32>} : memref<4x768xf32, #tpu.memory_space<vmem>>, vector<1x16xf32>,
      %get3A_1428 = vector.shape_cast %get3A_1427 : vector<1x16xf32> to vector<16xf32>
      %mul3A_1429 = arith.mulf %get3A_39, %get3A_1428 : vector<16xf32>
      %add3A_1430 = arith.addf %add3A_1423, %mul3A_1429 : vector<16xf32>
      %swap3A_1431 = arith.constant 704 : index
      %swap3A_1432 = tpu.vector_load %arg10[%swap3A_1431] {strides = array<i32>} : memref<768xf32, #tpu.memory_space<vmem>>, vector<16xf32>,
      %swap3A_1433 = vector.shape_cast %swap3A_1432 : vector<16xf32> to vector<16xf32>
      %swap3A_1434 = vector.shape_cast %add3A_1430 : vector<16xf32> to vector<16xf32>
      tpu.vector_store %arg10[%swap3A_1431], %swap3A_1434 {strides = array<i32>} : memref<768xf32, #tpu.memory_space<vmem>>, vector<16xf32>,
      %get3A_1435 = arith.constant 0 : i32
      %get3A_1436 = arith.index_cast %get3A_1435 : i32 to index
      %get3A_1437 = arith.constant 720 : index
      %get3A_1438 = tpu.vector_load %arg9[%get3A_1436, %get3A_1437] {strides = array<i32>} : memref<4x768xf32, #tpu.memory_space<vmem>>, vector<1x16xf32>,
      %get3A_1439 = vector.shape_cast %get3A_1438 : vector<1x16xf32> to vector<16xf32>
      %mul3A_1440 = arith.mulf %get3A_24, %get3A_1439 : vector<16xf32>
      %get3A_1441 = arith.constant 1 : i32
      %get3A_1442 = arith.index_cast %get3A_1441 : i32 to index
      %get3A_1443 = arith.constant 720 : index
      %get3A_1444 = tpu.vector_load %arg9[%get3A_1442, %get3A_1443] {strides = array<i32>} : memref<4x768xf32, #tpu.memory_space<vmem>>, vector<1x16xf32>,
      %get3A_1445 = vector.shape_cast %get3A_1444 : vector<1x16xf32> to vector<16xf32>
      %mul3A_1446 = arith.mulf %get3A_29, %get3A_1445 : vector<16xf32>
      %add3A_1447 = arith.addf %mul3A_1440, %mul3A_1446 : vector<16xf32>
      %get3A_1448 = arith.constant 2 : i32
      %get3A_1449 = arith.index_cast %get3A_1448 : i32 to index
      %get3A_1450 = arith.constant 720 : index
      %get3A_1451 = tpu.vector_load %arg9[%get3A_1449, %get3A_1450] {strides = array<i32>} : memref<4x768xf32, #tpu.memory_space<vmem>>, vector<1x16xf32>,
      %get3A_1452 = vector.shape_cast %get3A_1451 : vector<1x16xf32> to vector<16xf32>
      %mul3A_1453 = arith.mulf %get3A_34, %get3A_1452 : vector<16xf32>
      %add3A_1454 = arith.addf %add3A_1447, %mul3A_1453 : vector<16xf32>
      %get3A_1455 = arith.constant 3 : i32
      %get3A_1456 = arith.index_cast %get3A_1455 : i32 to index
      %get3A_1457 = arith.constant 720 : index
      %get3A_1458 = tpu.vector_load %arg9[%get3A_1456, %get3A_1457] {strides = array<i32>} : memref<4x768xf32, #tpu.memory_space<vmem>>, vector<1x16xf32>,
      %get3A_1459 = vector.shape_cast %get3A_1458 : vector<1x16xf32> to vector<16xf32>
      %mul3A_1460 = arith.mulf %get3A_39, %get3A_1459 : vector<16xf32>
      %add3A_1461 = arith.addf %add3A_1454, %mul3A_1460 : vector<16xf32>
      %swap3A_1462 = arith.constant 720 : index
      %swap3A_1463 = tpu.vector_load %arg10[%swap3A_1462] {strides = array<i32>} : memref<768xf32, #tpu.memory_space<vmem>>, vector<16xf32>,
      %swap3A_1464 = vector.shape_cast %swap3A_1463 : vector<16xf32> to vector<16xf32>
      %swap3A_1465 = vector.shape_cast %add3A_1461 : vector<16xf32> to vector<16xf32>
      tpu.vector_store %arg10[%swap3A_1462], %swap3A_1465 {strides = array<i32>} : memref<768xf32, #tpu.memory_space<vmem>>, vector<16xf32>,
      %get3A_1466 = arith.constant 0 : i32
      %get3A_1467 = arith.index_cast %get3A_1466 : i32 to index
      %get3A_1468 = arith.constant 736 : index
      %get3A_1469 = tpu.vector_load %arg9[%get3A_1467, %get3A_1468] {strides = array<i32>} : memref<4x768xf32, #tpu.memory_space<vmem>>, vector<1x16xf32>,
      %get3A_1470 = vector.shape_cast %get3A_1469 : vector<1x16xf32> to vector<16xf32>
      %mul3A_1471 = arith.mulf %get3A_24, %get3A_1470 : vector<16xf32>
      %get3A_1472 = arith.constant 1 : i32
      %get3A_1473 = arith.index_cast %get3A_1472 : i32 to index
      %get3A_1474 = arith.constant 736 : index
      %get3A_1475 = tpu.vector_load %arg9[%get3A_1473, %get3A_1474] {strides = array<i32>} : memref<4x768xf32, #tpu.memory_space<vmem>>, vector<1x16xf32>,
      %get3A_1476 = vector.shape_cast %get3A_1475 : vector<1x16xf32> to vector<16xf32>
      %mul3A_1477 = arith.mulf %get3A_29, %get3A_1476 : vector<16xf32>
      %add3A_1478 = arith.addf %mul3A_1471, %mul3A_1477 : vector<16xf32>
      %get3A_1479 = arith.constant 2 : i32
      %get3A_1480 = arith.index_cast %get3A_1479 : i32 to index
      %get3A_1481 = arith.constant 736 : index
      %get3A_1482 = tpu.vector_load %arg9[%get3A_1480, %get3A_1481] {strides = array<i32>} : memref<4x768xf32, #tpu.memory_space<vmem>>, vector<1x16xf32>,
      %get3A_1483 = vector.shape_cast %get3A_1482 : vector<1x16xf32> to vector<16xf32>
      %mul3A_1484 = arith.mulf %get3A_34, %get3A_1483 : vector<16xf32>
      %add3A_1485 = arith.addf %add3A_1478, %mul3A_1484 : vector<16xf32>
      %get3A_1486 = arith.constant 3 : i32
      %get3A_1487 = arith.index_cast %get3A_1486 : i32 to index
      %get3A_1488 = arith.constant 736 : index
      %get3A_1489 = tpu.vector_load %arg9[%get3A_1487, %get3A_1488] {strides = array<i32>} : memref<4x768xf32, #tpu.memory_space<vmem>>, vector<1x16xf32>,
      %get3A_1490 = vector.shape_cast %get3A_1489 : vector<1x16xf32> to vector<16xf32>
      %mul3A_1491 = arith.mulf %get3A_39, %get3A_1490 : vector<16xf32>
      %add3A_1492 = arith.addf %add3A_1485, %mul3A_1491 : vector<16xf32>
      %swap3A_1493 = arith.constant 736 : index
      %swap3A_1494 = tpu.vector_load %arg10[%swap3A_1493] {strides = array<i32>} : memref<768xf32, #tpu.memory_space<vmem>>, vector<16xf32>,
      %swap3A_1495 = vector.shape_cast %swap3A_1494 : vector<16xf32> to vector<16xf32>
      %swap3A_1496 = vector.shape_cast %add3A_1492 : vector<16xf32> to vector<16xf32>
      tpu.vector_store %arg10[%swap3A_1493], %swap3A_1496 {strides = array<i32>} : memref<768xf32, #tpu.memory_space<vmem>>, vector<16xf32>,
      %get3A_1497 = arith.constant 0 : i32
      %get3A_1498 = arith.index_cast %get3A_1497 : i32 to index
      %get3A_1499 = arith.constant 752 : index
      %get3A_1500 = tpu.vector_load %arg9[%get3A_1498, %get3A_1499] {strides = array<i32>} : memref<4x768xf32, #tpu.memory_space<vmem>>, vector<1x16xf32>,
      %get3A_1501 = vector.shape_cast %get3A_1500 : vector<1x16xf32> to vector<16xf32>
      %mul3A_1502 = arith.mulf %get3A_24, %get3A_1501 : vector<16xf32>
      %get3A_1503 = arith.constant 1 : i32
      %get3A_1504 = arith.index_cast %get3A_1503 : i32 to index
      %get3A_1505 = arith.constant 752 : index
      %get3A_1506 = tpu.vector_load %arg9[%get3A_1504, %get3A_1505] {strides = array<i32>} : memref<4x768xf32, #tpu.memory_space<vmem>>, vector<1x16xf32>,
      %get3A_1507 = vector.shape_cast %get3A_1506 : vector<1x16xf32> to vector<16xf32>
      %mul3A_1508 = arith.mulf %get3A_29, %get3A_1507 : vector<16xf32>
      %add3A_1509 = arith.addf %mul3A_1502, %mul3A_1508 : vector<16xf32>
      %get3A_1510 = arith.constant 2 : i32
      %get3A_1511 = arith.index_cast %get3A_1510 : i32 to index
      %get3A_1512 = arith.constant 752 : index
      %get3A_1513 = tpu.vector_load %arg9[%get3A_1511, %get3A_1512] {strides = array<i32>} : memref<4x768xf32, #tpu.memory_space<vmem>>, vector<1x16xf32>,
      %get3A_1514 = vector.shape_cast %get3A_1513 : vector<1x16xf32> to vector<16xf32>
      %mul3A_1515 = arith.mulf %get3A_34, %get3A_1514 : vector<16xf32>
      %add3A_1516 = arith.addf %add3A_1509, %mul3A_1515 : vector<16xf32>
      %get3A_1517 = arith.constant 3 : i32
      %get3A_1518 = arith.index_cast %get3A_1517 : i32 to index
      %get3A_1519 = arith.constant 752 : index
      %get3A_1520 = tpu.vector_load %arg9[%get3A_1518, %get3A_1519] {strides = array<i32>} : memref<4x768xf32, #tpu.memory_space<vmem>>, vector<1x16xf32>,
      %get3A_1521 = vector.shape_cast %get3A_1520 : vector<1x16xf32> to vector<16xf32>
      %mul3A_1522 = arith.mulf %get3A_39, %get3A_1521 : vector<16xf32>
      %add3A_1523 = arith.addf %add3A_1516, %mul3A_1522 : vector<16xf32>
      %swap3A_1524 = arith.constant 752 : index
      %swap3A_1525 = tpu.vector_load %arg10[%swap3A_1524] {strides = array<i32>} : memref<768xf32, #tpu.memory_space<vmem>>, vector<16xf32>,
      %swap3A_1526 = vector.shape_cast %swap3A_1525 : vector<16xf32> to vector<16xf32>
      %swap3A_1527 = vector.shape_cast %add3A_1523 : vector<16xf32> to vector<16xf32>
      tpu.vector_store %arg10[%swap3A_1524], %swap3A_1527 {strides = array<i32>} : memref<768xf32, #tpu.memory_space<vmem>>, vector<16xf32>,
      %mul3A_1528 = arith.constant 768 : i32
      %mul3A_1529 = arith.muli %add3A, %mul3A_1528 : i32
      "tpu.region"() ({
        %run_scoped3A = tpu.sem_alloc : memref<!tpu.dma_semaphore, #tpu.memory_space<semaphore_mem>>
        %dma_start3A_1530 = tpu.memref_slice %arg5[%mul3A_1529] : memref<11520xf32, #tpu.memory_space<hbm>> -> memref<768xf32, #tpu.memory_space<hbm>>
        %dma_start3A_1531 = tpu.memref_slice %arg5[%mul3A_1529] : memref<11520xf32, #tpu.memory_space<hbm>> -> memref<768xf32, #tpu.memory_space<hbm>>
        tpu.enqueue_dma source(%arg10 : memref<768xf32, #tpu.memory_space<vmem>>) target(%dma_start3A_1531 : memref<768xf32, #tpu.memory_space<hbm>>) target_semaphore(%run_scoped3A : memref<!tpu.dma_semaphore, #tpu.memory_space<semaphore_mem>>)
        %dma_wait3A_1532 = tpu.memref_slice %arg5[%mul3A_1529] : memref<11520xf32, #tpu.memory_space<hbm>> -> memref<768xf32, #tpu.memory_space<hbm>>
        %dma_wait3A_1533 = tpu.memref_slice %arg5[%mul3A_1529] : memref<11520xf32, #tpu.memory_space<hbm>> -> memref<768xf32, #tpu.memory_space<hbm>>
        tpu.wait_dma2 semaphore(%run_scoped3A : memref<!tpu.dma_semaphore, #tpu.memory_space<semaphore_mem>>) src(%arg10 : memref<768xf32, #tpu.memory_space<vmem>>) dst(%dma_wait3A_1533 : memref<768xf32, #tpu.memory_space<hbm>>)
        tpu.yield
      }) : () -> ()
    } else {
    }
    return
  }
}

module attributes {stable_mosaic.version = 14 : i64} {
  func.func @_gate_body(%arg0: memref<1x512xf32, #tpu.memory_space<vmem>>, %arg1: memref<512x64xf32, #tpu.memory_space<vmem>>, %arg2: memref<1x256xf32, #tpu.memory_space<vmem>>, %arg3: memref<768x256xf32, #tpu.memory_space<vmem>>, %arg4: memref<1x768xf32, #tpu.memory_space<vmem>>, %arg5: memref<1x16xi32, #tpu.memory_space<vmem>>, %arg6: memref<4x16xf32, #tpu.memory_space<vmem>>, %arg7: memref<1x768xf32, #tpu.memory_space<vmem>>, %arg8: memref<1x1xf32, #tpu.memory_space<vmem>>) attributes {dimension_semantics = [], scalar_prefetch = 0 : i64, scratch_operands = 0 : i64, tpu.core_type = #tpu.core_type<tc>} {
    %get3A = arith.constant 0 : index
    %get3A_0 = arith.constant 0 : index
    %get3A_1 = vector.load %arg2[%get3A, %get3A_0] : memref<1x256xf32, #tpu.memory_space<vmem>>, vector<1x256xf32>
    %get3A_2 = arith.constant 0 : index
    %get3A_3 = arith.constant 0 : index
    %get3A_4 = vector.load %arg3[%get3A_2, %get3A_3] : memref<768x256xf32, #tpu.memory_space<vmem>>, vector<768x256xf32>
    %dot_general3A = arith.constant dense<0.000000e+00> : vector<1x768xf32>
    %dot_general3A_5 = tpu.matmul %get3A_1, %get3A_4, %dot_general3A {dimension_numbers = #tpu.dot_dimension_numbers<[1], [1], [0], [0], [0, 0, 1, 0], [], []>, transpose_lhs_hint = false} : vector<1x256xf32>, vector<768x256xf32>, vector<1x768xf32> -> vector<1x768xf32>
    %get3A_6 = arith.constant 0 : index
    %get3A_7 = arith.constant 0 : index
    %get3A_8 = vector.load %arg4[%get3A_6, %get3A_7] : memref<1x768xf32, #tpu.memory_space<vmem>>, vector<1x768xf32>
    %add3A = arith.addf %dot_general3A_5, %get3A_8 : vector<1x768xf32>
    %swap3A = arith.constant 0 : index
    %swap3A_9 = arith.constant 0 : index
    %swap3A_10 = vector.load %arg7[%swap3A, %swap3A_9] : memref<1x768xf32, #tpu.memory_space<vmem>>, vector<1x768xf32>
    tpu.vector_store %arg7[%swap3A, %swap3A_9], %add3A {strides = array<i32>} : memref<1x768xf32, #tpu.memory_space<vmem>>, vector<1x768xf32>,
    %get3A_11 = arith.constant 0 : index
    %get3A_12 = arith.constant 0 : index
    %get3A_13 = vector.load %arg0[%get3A_11, %get3A_12] : memref<1x512xf32, #tpu.memory_space<vmem>>, vector<1x512xf32>
    %get3A_14 = arith.constant 0 : index
    %get3A_15 = arith.constant 0 : index
    %get3A_16 = vector.load %arg1[%get3A_14, %get3A_15] : memref<512x64xf32, #tpu.memory_space<vmem>>, vector<512x64xf32>
    %dot_general3A_17 = arith.constant dense<0.000000e+00> : vector<1x64xf32>
    %dot_general3A_18 = tpu.matmul %get3A_13, %get3A_16, %dot_general3A_17 {dimension_numbers = #tpu.dot_dimension_numbers<[1], [0], [0], [1], [0, 0, 1, 1], [], []>, transpose_lhs_hint = false} : vector<1x512xf32>, vector<512x64xf32>, vector<1x64xf32> -> vector<1x64xf32>
    %iota3A = tpu.iota {dimensions = array<i32: 1>} : vector<1x64xi32>
    %reduce_max3A = vector.shape_cast %dot_general3A_18 : vector<1x64xf32> to vector<1x1x64xf32>
    %reduce_max3A_19 = arith.constant dense<0xFF800000> : vector<1xf32>
    %reduce_max3A_20 = vector.multi_reduction <maximumf>, %reduce_max3A, %reduce_max3A_19 [1, 2] : vector<1x1x64xf32> to vector<1xf32>
    %reduce_max3A_21 = vector.shape_cast %reduce_max3A_20 : vector<1xf32> to vector<1x1x1xf32>
    %reduce_max3A_22 = vector.extract %reduce_max3A_21[0, 0, 0] : f32 from vector<1x1x1xf32>
    %eq3A = vector.broadcast %reduce_max3A_22 : f32 to vector<1x64xf32>
    %eq3A_23 = arith.cmpf oeq, %dot_general3A_18, %eq3A : vector<1x64xf32>
    %jit3A = arith.constant 64 : i32
    %broadcast_in_dim3A = vector.broadcast %jit3A : i32 to vector<1x64xi32>
    %select_n3A = arith.select %eq3A_23, %iota3A, %broadcast_in_dim3A : vector<1x64xi1>, vector<1x64xi32>
    %reduce_min3A = vector.shape_cast %select_n3A : vector<1x64xi32> to vector<1x1x64xi32>
    %reduce_min3A_24 = arith.constant dense<2147483647> : vector<1xi32>
    %reduce_min3A_25 = vector.multi_reduction <minsi>, %reduce_min3A, %reduce_min3A_24 [1, 2] : vector<1x1x64xi32> to vector<1xi32>
    %reduce_min3A_26 = vector.shape_cast %reduce_min3A_25 : vector<1xi32> to vector<1x1x1xi32>
    %reduce_min3A_27 = vector.extract %reduce_min3A_26[0, 0, 0] : i32 from vector<1x1x1xi32>
    %eq3A_28 = vector.broadcast %reduce_min3A_27 : i32 to vector<1x64xi32>
    %eq3A_29 = arith.cmpi eq, %iota3A, %eq3A_28 : vector<1x64xi32>
    %jit3A_30 = arith.constant 0xFF800000 : f32
    %broadcast_in_dim3A_31 = vector.broadcast %jit3A_30 : f32 to vector<1x64xf32>
    %select_n3A_32 = arith.select %eq3A_29, %broadcast_in_dim3A_31, %dot_general3A_18 : vector<1x64xi1>, vector<1x64xf32>
    %reduce_max3A_33 = vector.shape_cast %select_n3A_32 : vector<1x64xf32> to vector<1x1x64xf32>
    %reduce_max3A_34 = arith.constant dense<0xFF800000> : vector<1xf32>
    %reduce_max3A_35 = vector.multi_reduction <maximumf>, %reduce_max3A_33, %reduce_max3A_34 [1, 2] : vector<1x1x64xf32> to vector<1xf32>
    %reduce_max3A_36 = vector.shape_cast %reduce_max3A_35 : vector<1xf32> to vector<1x1x1xf32>
    %reduce_max3A_37 = vector.extract %reduce_max3A_36[0, 0, 0] : f32 from vector<1x1x1xf32>
    %eq3A_38 = vector.broadcast %reduce_max3A_37 : f32 to vector<1x64xf32>
    %eq3A_39 = arith.cmpf oeq, %select_n3A_32, %eq3A_38 : vector<1x64xf32>
    %jit3A_40 = arith.constant 64 : i32
    %broadcast_in_dim3A_41 = vector.broadcast %jit3A_40 : i32 to vector<1x64xi32>
    %select_n3A_42 = arith.select %eq3A_39, %iota3A, %broadcast_in_dim3A_41 : vector<1x64xi1>, vector<1x64xi32>
    %reduce_min3A_43 = vector.shape_cast %select_n3A_42 : vector<1x64xi32> to vector<1x1x64xi32>
    %reduce_min3A_44 = arith.constant dense<2147483647> : vector<1xi32>
    %reduce_min3A_45 = vector.multi_reduction <minsi>, %reduce_min3A_43, %reduce_min3A_44 [1, 2] : vector<1x1x64xi32> to vector<1xi32>
    %reduce_min3A_46 = vector.shape_cast %reduce_min3A_45 : vector<1xi32> to vector<1x1x1xi32>
    %reduce_min3A_47 = vector.extract %reduce_min3A_46[0, 0, 0] : i32 from vector<1x1x1xi32>
    %eq3A_48 = vector.broadcast %reduce_min3A_47 : i32 to vector<1x64xi32>
    %eq3A_49 = arith.cmpi eq, %iota3A, %eq3A_48 : vector<1x64xi32>
    %jit3A_50 = arith.constant 0xFF800000 : f32
    %broadcast_in_dim3A_51 = vector.broadcast %jit3A_50 : f32 to vector<1x64xf32>
    %select_n3A_52 = arith.select %eq3A_49, %broadcast_in_dim3A_51, %select_n3A_32 : vector<1x64xi1>, vector<1x64xf32>
    %reduce_max3A_53 = vector.shape_cast %select_n3A_52 : vector<1x64xf32> to vector<1x1x64xf32>
    %reduce_max3A_54 = arith.constant dense<0xFF800000> : vector<1xf32>
    %reduce_max3A_55 = vector.multi_reduction <maximumf>, %reduce_max3A_53, %reduce_max3A_54 [1, 2] : vector<1x1x64xf32> to vector<1xf32>
    %reduce_max3A_56 = vector.shape_cast %reduce_max3A_55 : vector<1xf32> to vector<1x1x1xf32>
    %reduce_max3A_57 = vector.extract %reduce_max3A_56[0, 0, 0] : f32 from vector<1x1x1xf32>
    %eq3A_58 = vector.broadcast %reduce_max3A_57 : f32 to vector<1x64xf32>
    %eq3A_59 = arith.cmpf oeq, %select_n3A_52, %eq3A_58 : vector<1x64xf32>
    %jit3A_60 = arith.constant 64 : i32
    %broadcast_in_dim3A_61 = vector.broadcast %jit3A_60 : i32 to vector<1x64xi32>
    %select_n3A_62 = arith.select %eq3A_59, %iota3A, %broadcast_in_dim3A_61 : vector<1x64xi1>, vector<1x64xi32>
    %reduce_min3A_63 = vector.shape_cast %select_n3A_62 : vector<1x64xi32> to vector<1x1x64xi32>
    %reduce_min3A_64 = arith.constant dense<2147483647> : vector<1xi32>
    %reduce_min3A_65 = vector.multi_reduction <minsi>, %reduce_min3A_63, %reduce_min3A_64 [1, 2] : vector<1x1x64xi32> to vector<1xi32>
    %reduce_min3A_66 = vector.shape_cast %reduce_min3A_65 : vector<1xi32> to vector<1x1x1xi32>
    %reduce_min3A_67 = vector.extract %reduce_min3A_66[0, 0, 0] : i32 from vector<1x1x1xi32>
    %eq3A_68 = vector.broadcast %reduce_min3A_67 : i32 to vector<1x64xi32>
    %eq3A_69 = arith.cmpi eq, %iota3A, %eq3A_68 : vector<1x64xi32>
    %jit3A_70 = arith.constant 0xFF800000 : f32
    %broadcast_in_dim3A_71 = vector.broadcast %jit3A_70 : f32 to vector<1x64xf32>
    %select_n3A_72 = arith.select %eq3A_69, %broadcast_in_dim3A_71, %select_n3A_52 : vector<1x64xi1>, vector<1x64xf32>
    %reduce_max3A_73 = vector.shape_cast %select_n3A_72 : vector<1x64xf32> to vector<1x1x64xf32>
    %reduce_max3A_74 = arith.constant dense<0xFF800000> : vector<1xf32>
    %reduce_max3A_75 = vector.multi_reduction <maximumf>, %reduce_max3A_73, %reduce_max3A_74 [1, 2] : vector<1x1x64xf32> to vector<1xf32>
    %reduce_max3A_76 = vector.shape_cast %reduce_max3A_75 : vector<1xf32> to vector<1x1x1xf32>
    %reduce_max3A_77 = vector.extract %reduce_max3A_76[0, 0, 0] : f32 from vector<1x1x1xf32>
    %eq3A_78 = vector.broadcast %reduce_max3A_77 : f32 to vector<1x64xf32>
    %eq3A_79 = arith.cmpf oeq, %select_n3A_72, %eq3A_78 : vector<1x64xf32>
    %jit3A_80 = arith.constant 64 : i32
    %broadcast_in_dim3A_81 = vector.broadcast %jit3A_80 : i32 to vector<1x64xi32>
    %select_n3A_82 = arith.select %eq3A_79, %iota3A, %broadcast_in_dim3A_81 : vector<1x64xi1>, vector<1x64xi32>
    %reduce_min3A_83 = vector.shape_cast %select_n3A_82 : vector<1x64xi32> to vector<1x1x64xi32>
    %reduce_min3A_84 = arith.constant dense<2147483647> : vector<1xi32>
    %reduce_min3A_85 = vector.multi_reduction <minsi>, %reduce_min3A_83, %reduce_min3A_84 [1, 2] : vector<1x1x64xi32> to vector<1xi32>
    %reduce_min3A_86 = vector.shape_cast %reduce_min3A_85 : vector<1xi32> to vector<1x1x1xi32>
    %reduce_min3A_87 = vector.extract %reduce_min3A_86[0, 0, 0] : i32 from vector<1x1x1xi32>
    %sub3A = arith.subf %reduce_max3A_22, %reduce_max3A_22 : f32
    %exp3A = math.exp %sub3A : f32
    %sub3A_88 = arith.subf %reduce_max3A_37, %reduce_max3A_22 : f32
    %exp3A_89 = math.exp %sub3A_88 : f32
    %sub3A_90 = arith.subf %reduce_max3A_57, %reduce_max3A_22 : f32
    %exp3A_91 = math.exp %sub3A_90 : f32
    %sub3A_92 = arith.subf %reduce_max3A_77, %reduce_max3A_22 : f32
    %exp3A_93 = math.exp %sub3A_92 : f32
    %add3A_94 = arith.addf %exp3A, %exp3A_89 : f32
    %add3A_95 = arith.addf %add3A_94, %exp3A_91 : f32
    %add3A_96 = arith.addf %add3A_95, %exp3A_93 : f32
    %div3A = arith.divf %exp3A, %add3A_96 : f32
    %div3A_97 = arith.divf %exp3A_89, %add3A_96 : f32
    %div3A_98 = arith.divf %exp3A_91, %add3A_96 : f32
    %div3A_99 = arith.divf %exp3A_93, %add3A_96 : f32
    %broadcast_in_dim3A_100 = arith.constant 0.000000e+00 : f32
    %broadcast_in_dim3A_101 = vector.broadcast %broadcast_in_dim3A_100 : f32 to vector<1x64xf32>
    %eq3A_102 = vector.broadcast %reduce_min3A_27 : i32 to vector<1x64xi32>
    %eq3A_103 = arith.cmpi eq, %iota3A, %eq3A_102 : vector<1x64xi32>
    %broadcast_in_dim3A_104 = vector.broadcast %div3A : f32 to vector<1x64xf32>
    %select_n3A_105 = arith.select %eq3A_103, %broadcast_in_dim3A_104, %broadcast_in_dim3A_101 : vector<1x64xi1>, vector<1x64xf32>
    %eq3A_106 = vector.broadcast %reduce_min3A_47 : i32 to vector<1x64xi32>
    %eq3A_107 = arith.cmpi eq, %iota3A, %eq3A_106 : vector<1x64xi32>
    %broadcast_in_dim3A_108 = vector.broadcast %div3A_97 : f32 to vector<1x64xf32>
    %select_n3A_109 = arith.select %eq3A_107, %broadcast_in_dim3A_108, %select_n3A_105 : vector<1x64xi1>, vector<1x64xf32>
    %eq3A_110 = vector.broadcast %reduce_min3A_67 : i32 to vector<1x64xi32>
    %eq3A_111 = arith.cmpi eq, %iota3A, %eq3A_110 : vector<1x64xi32>
    %broadcast_in_dim3A_112 = vector.broadcast %div3A_98 : f32 to vector<1x64xf32>
    %select_n3A_113 = arith.select %eq3A_111, %broadcast_in_dim3A_112, %select_n3A_109 : vector<1x64xi1>, vector<1x64xf32>
    %eq3A_114 = vector.broadcast %reduce_min3A_87 : i32 to vector<1x64xi32>
    %eq3A_115 = arith.cmpi eq, %iota3A, %eq3A_114 : vector<1x64xi32>
    %broadcast_in_dim3A_116 = vector.broadcast %div3A_99 : f32 to vector<1x64xf32>
    %select_n3A_117 = arith.select %eq3A_115, %broadcast_in_dim3A_116, %select_n3A_113 : vector<1x64xi1>, vector<1x64xf32>
    %reduce_sum3A = vector.shape_cast %select_n3A_117 : vector<1x64xf32> to vector<1x1x64xf32>
    %reduce_sum3A_118 = arith.constant dense<0.000000e+00> : vector<1xf32>
    %reduce_sum3A_119 = vector.multi_reduction <add>, %reduce_sum3A, %reduce_sum3A_118 [1, 2] : vector<1x1x64xf32> to vector<1xf32>
    %reduce_sum3A_120 = vector.shape_cast %reduce_sum3A_119 : vector<1xf32> to vector<1x1x1xf32>
    %reduce_sum3A_121 = vector.extract %reduce_sum3A_120[0, 0, 0] : f32 from vector<1x1x1xf32>
    %mul3A = arith.mulf %select_n3A_117, %select_n3A_117 : vector<1x64xf32>
    %reduce_sum3A_122 = vector.shape_cast %mul3A : vector<1x64xf32> to vector<1x1x64xf32>
    %reduce_sum3A_123 = arith.constant dense<0.000000e+00> : vector<1xf32>
    %reduce_sum3A_124 = vector.multi_reduction <add>, %reduce_sum3A_122, %reduce_sum3A_123 [1, 2] : vector<1x1x64xf32> to vector<1xf32>
    %reduce_sum3A_125 = vector.shape_cast %reduce_sum3A_124 : vector<1xf32> to vector<1x1x1xf32>
    %reduce_sum3A_126 = vector.extract %reduce_sum3A_125[0, 0, 0] : f32 from vector<1x1x1xf32>
    %div3A_127 = arith.constant 6.400000e+01 : f32
    %div3A_128 = arith.divf %reduce_sum3A_121, %div3A_127 : f32
    %mul3A_129 = arith.constant 6.400000e+01 : f32
    %mul3A_130 = arith.mulf %mul3A_129, %div3A_128 : f32
    %mul3A_131 = arith.mulf %mul3A_130, %div3A_128 : f32
    %sub3A_132 = arith.subf %reduce_sum3A_126, %mul3A_131 : f32
    %div3A_133 = arith.constant 6.300000e+01 : f32
    %div3A_134 = arith.divf %sub3A_132, %div3A_133 : f32
    %mul3A_135 = arith.mulf %div3A_128, %div3A_128 : f32
    %add3A_136 = arith.constant 1.000000e-10 : f32
    %add3A_137 = arith.addf %mul3A_135, %add3A_136 : f32
    %div3A_138 = arith.divf %div3A_134, %add3A_137 : f32
    %broadcast_in_dim3A_139 = vector.broadcast %div3A_138 : f32 to vector<1x1xf32>
    %swap3A_140 = arith.constant 0 : index
    %swap3A_141 = arith.constant 0 : index
    %swap3A_142 = vector.load %arg8[%swap3A_140, %swap3A_141] : memref<1x1xf32, #tpu.memory_space<vmem>>, vector<1x1xf32>
    tpu.vector_store %arg8[%swap3A_140, %swap3A_141], %broadcast_in_dim3A_139 {strides = array<i32>} : memref<1x1xf32, #tpu.memory_space<vmem>>, vector<1x1xf32>,
    %iota3A_143 = tpu.iota {dimensions = array<i32: 1>} : vector<1x16xi32>
    %broadcast_in_dim3A_144 = arith.constant 0 : i32
    %broadcast_in_dim3A_145 = vector.broadcast %broadcast_in_dim3A_144 : i32 to vector<1x16xi32>
    %eq3A_146 = arith.constant 0 : i32
    %eq3A_147 = vector.broadcast %eq3A_146 : i32 to vector<1x16xi32>
    %eq3A_148 = arith.cmpi eq, %iota3A_143, %eq3A_147 : vector<1x16xi32>
    %broadcast_in_dim3A_149 = vector.broadcast %reduce_min3A_27 : i32 to vector<1x16xi32>
    %select_n3A_150 = arith.select %eq3A_148, %broadcast_in_dim3A_149, %broadcast_in_dim3A_145 : vector<1x16xi1>, vector<1x16xi32>
    %eq3A_151 = arith.constant 1 : i32
    %eq3A_152 = vector.broadcast %eq3A_151 : i32 to vector<1x16xi32>
    %eq3A_153 = arith.cmpi eq, %iota3A_143, %eq3A_152 : vector<1x16xi32>
    %broadcast_in_dim3A_154 = vector.broadcast %reduce_min3A_47 : i32 to vector<1x16xi32>
    %select_n3A_155 = arith.select %eq3A_153, %broadcast_in_dim3A_154, %select_n3A_150 : vector<1x16xi1>, vector<1x16xi32>
    %eq3A_156 = arith.constant 2 : i32
    %eq3A_157 = vector.broadcast %eq3A_156 : i32 to vector<1x16xi32>
    %eq3A_158 = arith.cmpi eq, %iota3A_143, %eq3A_157 : vector<1x16xi32>
    %broadcast_in_dim3A_159 = vector.broadcast %reduce_min3A_67 : i32 to vector<1x16xi32>
    %select_n3A_160 = arith.select %eq3A_158, %broadcast_in_dim3A_159, %select_n3A_155 : vector<1x16xi1>, vector<1x16xi32>
    %eq3A_161 = arith.constant 3 : i32
    %eq3A_162 = vector.broadcast %eq3A_161 : i32 to vector<1x16xi32>
    %eq3A_163 = arith.cmpi eq, %iota3A_143, %eq3A_162 : vector<1x16xi32>
    %broadcast_in_dim3A_164 = vector.broadcast %reduce_min3A_87 : i32 to vector<1x16xi32>
    %select_n3A_165 = arith.select %eq3A_163, %broadcast_in_dim3A_164, %select_n3A_160 : vector<1x16xi1>, vector<1x16xi32>
    %swap3A_166 = arith.constant 0 : index
    %swap3A_167 = arith.constant 0 : index
    %swap3A_168 = vector.load %arg5[%swap3A_166, %swap3A_167] : memref<1x16xi32, #tpu.memory_space<vmem>>, vector<1x16xi32>
    tpu.vector_store %arg5[%swap3A_166, %swap3A_167], %select_n3A_165 {strides = array<i32>} : memref<1x16xi32, #tpu.memory_space<vmem>>, vector<1x16xi32>,
    %iota3A_169 = tpu.iota {dimensions = array<i32: 0>} : vector<4x16xi32>
    %broadcast_in_dim3A_170 = arith.constant 0.000000e+00 : f32
    %broadcast_in_dim3A_171 = vector.broadcast %broadcast_in_dim3A_170 : f32 to vector<4x16xf32>
    %eq3A_172 = arith.constant 0 : i32
    %eq3A_173 = vector.broadcast %eq3A_172 : i32 to vector<4x16xi32>
    %eq3A_174 = arith.cmpi eq, %iota3A_169, %eq3A_173 : vector<4x16xi32>
    %broadcast_in_dim3A_175 = vector.broadcast %div3A : f32 to vector<4x16xf32>
    %select_n3A_176 = arith.select %eq3A_174, %broadcast_in_dim3A_175, %broadcast_in_dim3A_171 : vector<4x16xi1>, vector<4x16xf32>
    %eq3A_177 = arith.constant 1 : i32
    %eq3A_178 = vector.broadcast %eq3A_177 : i32 to vector<4x16xi32>
    %eq3A_179 = arith.cmpi eq, %iota3A_169, %eq3A_178 : vector<4x16xi32>
    %broadcast_in_dim3A_180 = vector.broadcast %div3A_97 : f32 to vector<4x16xf32>
    %select_n3A_181 = arith.select %eq3A_179, %broadcast_in_dim3A_180, %select_n3A_176 : vector<4x16xi1>, vector<4x16xf32>
    %eq3A_182 = arith.constant 2 : i32
    %eq3A_183 = vector.broadcast %eq3A_182 : i32 to vector<4x16xi32>
    %eq3A_184 = arith.cmpi eq, %iota3A_169, %eq3A_183 : vector<4x16xi32>
    %broadcast_in_dim3A_185 = vector.broadcast %div3A_98 : f32 to vector<4x16xf32>
    %select_n3A_186 = arith.select %eq3A_184, %broadcast_in_dim3A_185, %select_n3A_181 : vector<4x16xi1>, vector<4x16xf32>
    %eq3A_187 = arith.constant 3 : i32
    %eq3A_188 = vector.broadcast %eq3A_187 : i32 to vector<4x16xi32>
    %eq3A_189 = arith.cmpi eq, %iota3A_169, %eq3A_188 : vector<4x16xi32>
    %broadcast_in_dim3A_190 = vector.broadcast %div3A_99 : f32 to vector<4x16xf32>
    %select_n3A_191 = arith.select %eq3A_189, %broadcast_in_dim3A_190, %select_n3A_186 : vector<4x16xi1>, vector<4x16xf32>
    %swap3A_192 = arith.constant 0 : index
    %swap3A_193 = arith.constant 0 : index
    %swap3A_194 = vector.load %arg6[%swap3A_192, %swap3A_193] : memref<4x16xf32, #tpu.memory_space<vmem>>, vector<4x16xf32>
    tpu.vector_store %arg6[%swap3A_192, %swap3A_193], %select_n3A_191 {strides = array<i32>} : memref<4x16xf32, #tpu.memory_space<vmem>>, vector<4x16xf32>,
    return
  }
}

module attributes {stable_mosaic.version = 14 : i64} {
  func.func @_asm_body(%arg0: i32, %arg1: memref<32x1x768xf32, #tpu.memory_space<vmem>>, %arg2: memref<32x44x768xf32, #tpu.memory_space<vmem>>, %arg3: memref<16x768xf32, #tpu.memory_space<vmem>>, %arg4: memref<15x768xf32, #tpu.memory_space<vmem>>, %arg5: memref<1x768xf32, #tpu.memory_space<vmem>>, %arg6: memref<32x77x768xf32, #tpu.memory_space<vmem>>) attributes {dimension_semantics = [#tpu.dimension_semantics<arbitrary>], iteration_bounds = array<i64: 4>, scalar_prefetch = 0 : i64, scratch_operands = 0 : i64, tpu.core_type = #tpu.core_type<tc>, window_params = [{transform_indices = @transform_0, window_bounds = array<i64: 32, 1, 768>}, {transform_indices = @transform_1, window_bounds = array<i64: 32, 44, 768>}, {pipeline_mode = #tpu.pipeline_mode<synchronous>, transform_indices = @transform_2, window_bounds = array<i64: 16, 768>}, {pipeline_mode = #tpu.pipeline_mode<synchronous>, transform_indices = @transform_3, window_bounds = array<i64: 15, 768>}, {pipeline_mode = #tpu.pipeline_mode<synchronous>, transform_indices = @transform_4, window_bounds = array<i64: 1, 768>}, {transform_indices = @transform_5, window_bounds = array<i64: 32, 77, 768>}]} {
    %get3A = arith.constant 0 : index
    %get3A_0 = arith.constant 0 : index
    %get3A_1 = arith.constant 0 : index
    %get3A_2 = vector.load %arg1[%get3A, %get3A_0, %get3A_1] : memref<32x1x768xf32, #tpu.memory_space<vmem>>, vector<32x1x768xf32>
    %swap3A = arith.constant 0 : index
    %swap3A_3 = arith.constant 0 : index
    %swap3A_4 = arith.constant 0 : index
    %swap3A_5 = vector.load %arg6[%swap3A, %swap3A_3, %swap3A_4] : memref<32x77x768xf32, #tpu.memory_space<vmem>>, vector<32x1x768xf32>
    tpu.vector_store %arg6[%swap3A, %swap3A_3, %swap3A_4], %get3A_2 {strides = array<i32>} : memref<32x77x768xf32, #tpu.memory_space<vmem>>, vector<32x1x768xf32>,
    %get3A_6 = arith.constant 0 : index
    %get3A_7 = arith.constant 0 : index
    %get3A_8 = vector.load %arg3[%get3A_6, %get3A_7] : memref<16x768xf32, #tpu.memory_space<vmem>>, vector<16x768xf32>
    %broadcast_in_dim3A = vector.shape_cast %get3A_8 : vector<16x768xf32> to vector<1x16x768xf32>
    %broadcast_in_dim3A_9 = vector.shape_cast %broadcast_in_dim3A : vector<1x16x768xf32> to vector<1x16x768xf32>
    %broadcast_in_dim3A_10 = vector.broadcast %broadcast_in_dim3A_9 : vector<1x16x768xf32> to vector<32x16x768xf32>
    %swap3A_11 = arith.constant 0 : index
    %swap3A_12 = arith.constant 1 : index
    %swap3A_13 = arith.constant 0 : index
    %swap3A_14 = vector.load %arg6[%swap3A_11, %swap3A_12, %swap3A_13] : memref<32x77x768xf32, #tpu.memory_space<vmem>>, vector<32x16x768xf32>
    tpu.vector_store %arg6[%swap3A_11, %swap3A_12, %swap3A_13], %broadcast_in_dim3A_10 {strides = array<i32>} : memref<32x77x768xf32, #tpu.memory_space<vmem>>, vector<32x16x768xf32>,
    %get3A_15 = arith.constant 0 : index
    %get3A_16 = arith.constant 0 : index
    %get3A_17 = vector.load %arg4[%get3A_15, %get3A_16] : memref<15x768xf32, #tpu.memory_space<vmem>>, vector<15x768xf32>
    %broadcast_in_dim3A_18 = vector.shape_cast %get3A_17 : vector<15x768xf32> to vector<1x15x768xf32>
    %broadcast_in_dim3A_19 = vector.shape_cast %broadcast_in_dim3A_18 : vector<1x15x768xf32> to vector<1x15x768xf32>
    %broadcast_in_dim3A_20 = vector.broadcast %broadcast_in_dim3A_19 : vector<1x15x768xf32> to vector<32x15x768xf32>
    %swap3A_21 = arith.constant 0 : index
    %swap3A_22 = arith.constant 17 : index
    %swap3A_23 = arith.constant 0 : index
    %swap3A_24 = vector.load %arg6[%swap3A_21, %swap3A_22, %swap3A_23] : memref<32x77x768xf32, #tpu.memory_space<vmem>>, vector<32x15x768xf32>
    tpu.vector_store %arg6[%swap3A_21, %swap3A_22, %swap3A_23], %broadcast_in_dim3A_20 {strides = array<i32>} : memref<32x77x768xf32, #tpu.memory_space<vmem>>, vector<32x15x768xf32>,
    %get3A_25 = arith.constant 0 : index
    %get3A_26 = arith.constant 0 : index
    %get3A_27 = vector.load %arg5[%get3A_25, %get3A_26] : memref<1x768xf32, #tpu.memory_space<vmem>>, vector<1x768xf32>
    %broadcast_in_dim3A_28 = vector.shape_cast %get3A_27 : vector<1x768xf32> to vector<1x1x768xf32>
    %broadcast_in_dim3A_29 = vector.shape_cast %broadcast_in_dim3A_28 : vector<1x1x768xf32> to vector<1x1x768xf32>
    %broadcast_in_dim3A_30 = vector.broadcast %broadcast_in_dim3A_29 : vector<1x1x768xf32> to vector<32x1x768xf32>
    %swap3A_31 = arith.constant 0 : index
    %swap3A_32 = arith.constant 32 : index
    %swap3A_33 = arith.constant 0 : index
    %swap3A_34 = vector.load %arg6[%swap3A_31, %swap3A_32, %swap3A_33] : memref<32x77x768xf32, #tpu.memory_space<vmem>>, vector<32x1x768xf32>
    tpu.vector_store %arg6[%swap3A_31, %swap3A_32, %swap3A_33], %broadcast_in_dim3A_30 {strides = array<i32>} : memref<32x77x768xf32, #tpu.memory_space<vmem>>, vector<32x1x768xf32>,
    %get3A_35 = arith.constant 0 : index
    %get3A_36 = arith.constant 0 : index
    %get3A_37 = arith.constant 0 : index
    %get3A_38 = vector.load %arg2[%get3A_35, %get3A_36, %get3A_37] : memref<32x44x768xf32, #tpu.memory_space<vmem>>, vector<32x44x768xf32>
    %swap3A_39 = arith.constant 0 : index
    %swap3A_40 = arith.constant 33 : index
    %swap3A_41 = arith.constant 0 : index
    %swap3A_42 = vector.load %arg6[%swap3A_39, %swap3A_40, %swap3A_41] : memref<32x77x768xf32, #tpu.memory_space<vmem>>, vector<32x44x768xf32>
    tpu.vector_store %arg6[%swap3A_39, %swap3A_40, %swap3A_41], %get3A_38 {strides = array<i32>} : memref<32x77x768xf32, #tpu.memory_space<vmem>>, vector<32x44x768xf32>,
    return
  }
  func.func @transform_0(%arg0: i32) -> (i32, i32, i32) {
    %c0_i32 = arith.constant 0 : i32
    %c0_i32_0 = arith.constant 0 : i32
    %c0_i32_1 = arith.constant 0 : i32
    return %arg0, %c0_i32, %c0_i32_0 : i32, i32, i32
  }
  func.func @transform_1(%arg0: i32) -> (i32, i32, i32) {
    %c0_i32 = arith.constant 0 : i32
    %c0_i32_0 = arith.constant 0 : i32
    %c0_i32_1 = arith.constant 0 : i32
    return %arg0, %c0_i32, %c0_i32_0 : i32, i32, i32
  }
  func.func @transform_2(%arg0: i32) -> (i32, i32) {
    %c0_i32 = arith.constant 0 : i32
    %c0_i32_0 = arith.constant 0 : i32
    %c0_i32_1 = arith.constant 0 : i32
    return %c0_i32, %c0_i32_0 : i32, i32
  }
  func.func @transform_3(%arg0: i32) -> (i32, i32) {
    %c0_i32 = arith.constant 0 : i32
    %c0_i32_0 = arith.constant 0 : i32
    %c0_i32_1 = arith.constant 0 : i32
    return %c0_i32, %c0_i32_0 : i32, i32
  }
  func.func @transform_4(%arg0: i32) -> (i32, i32) {
    %c0_i32 = arith.constant 0 : i32
    %c0_i32_0 = arith.constant 0 : i32
    %c0_i32_1 = arith.constant 0 : i32
    return %c0_i32, %c0_i32_0 : i32, i32
  }
  func.func @transform_5(%arg0: i32) -> (i32, i32, i32) {
    %c0_i32 = arith.constant 0 : i32
    %c0_i32_0 = arith.constant 0 : i32
    %c0_i32_1 = arith.constant 0 : i32
    return %arg0, %c0_i32, %c0_i32_0 : i32, i32, i32
  }
}

</mosaic_0001>

<sc_bundles>
// kernel: kernel.5.cloned.1.call-start
scs
__scs_entry_jumppad:
0x0: {  	(pc) =	sbr.rel $0x88, $3  }
0x1: {  	(tag) =	ssettag $0x0;
	lr =	simm.s32 $0x1  }
0x2: {  	[smem:$0x3F97] =	sst lr;
	_ =	strace $0xD0000000  }
0x3: {  	_ = 	snop  }
0x4: {  	_ = 	snop  }
0x5: {  	_ = 	snop  }
0x6: {  	_ = 	snop  }
0x7: {  	_ = 	snop  }
__scs_overlays_trampoline_lowered:
0x8: {  	[smem:$0x3FA6] =	sst s0  }
0x9: {  	[smem:$0x3FA7] =	sst s1  }
0xa: {  	[smem:$0x3FA8] =	sst s2  }
0xb: {  	[smem:$0x3FA9] =	sst s3  }
0xc: {  	[smem:$0x3FAA] =	sst s4  }
0xd: {  	[smem:$0x3FAB] =	sst s5  }
0xe: {  	[smem:$0x3FAC] =	sst s6  }
0xf: {  	[smem:$0x3FAD] =	sst s7  }
0x10: {  	[smem:$0x3FAE] =	sst s8  }
0x11: {  	[smem:$0x3FAF] =	sst s9;
	s0 =	simm.s32 @!p0 $0x0  }
0x12: {  	s1 =	sld [smem:$0x3F95];
	s0 =	simm.s32 @p0 $0x1  }
0x13: {  	[smem:$0x3FB0] =	sst s0;
	s0 =	simm.s32 @!p1 $0x0  }
0x14: {  	s2 =	sld [smem:$0x3F94];
	s0 =	simm.s32 @p1 $0x1  }
0x15: {  	[smem:$0x3FB1] =	sst s0;
	s0 =	simm.s32 @!p2 $0x0  }
0x16: {  	s3 =	sld [smem:$0x3FDB];
	s0 =	simm.s32 @p2 $0x1  }
0x17: {  	s4 =	simm.s32 $0x1BF5;
	[smem:$0x3FB3] =	sst s0  }
0x18: {  	s0 =	sld [smem:$0x3F96];
	_ =	swait.ge [sflag:s4], $0x0  }
0x19: {  	s7 =	sld [smem:$0x3F97]  }
0x1a: {  	s8 =	sadd.s32 $0xFFFFE003, lr  }
0x1b: {  	s9 =	sadd.s32 $0xFFFFFEF7, lr;
	s5 =	simm.s32 $0xFFFFFFFF;
	p2 =	slt.u32 s8, $0xFFFFF086  }
0x1c: {  	p1 =	slt.u32 s9, $0xF7A;
	s5 =	simm.s32 @!p2 $0x0  }
0x1d: {  	s5 =	simm.s32 @p1 $0x1;
	p0 =	seq.s32 s7, s2  }
0x1e: {  	s7 =	smul.u32 @!p0 $0xF7A, s2;
	p2 =	seq.s32 @!p0 s5, $0x0  }
0x1f: {  	s9 =	smul.u32 $0xF7A, s1;
	s8 =	simm.s32 @!p0 $0x1BF5;
	p2 =	por !p2, p0  }
0x20: {  	[sflag:s8] =	ssyncset.s32 @!p0 $0xFFFFF086;
	s6 =	sadd.s32 @!p0 s3, s7;
	s7 =	simm.s32 @!p0 $0x108  }
0x21: {  	s3 =	sadd.s32 s3, s9;
	s6 =	sadd.s32 @!p0 $0x88, s6;
	s7 =	simm.s32 @p2 $0x1082  }
0x22: {  	[simem:s7], [sflag:s8] =	dma.local @!p0 [hbm:s6], $0xF7A  }
0x23: {  	s9 =	sor.u32 $0xD0000000, s2;
	s6 =	simm.s32 $0x108;
	_ =	swait.ge @!p0 [sflag:s8], $0x0  }
0x24: {  	s3 =	sadd.s32 $0x88, s3;
	s6 =	simm.s32 @!p1 $0x1082;
	[sflag:s4] =	ssyncset.s32 $0xFFFFF086  }
0x25: {  	[simem:s6], [sflag:s4] =	dma.local [hbm:s3], $0xF7A  }
0x26: {  	[smem:$0x3F97] =	sst s1;
	(tag) =	ssettag s2;
	_ =	strace s9  }
0x27: {  	s1 =	sld [smem:$0x3FA7]  }
0x28: {  	s2 =	sld [smem:$0x3FA8]  }
0x29: {  	s4 =	sld [smem:$0x3FAA]  }
0x2a: {  	p0 =	seq.s32 s5, $0x0;
	s5 =	sld [smem:$0x3FAB]  }
0x2b: {  	s6 =	sld [smem:$0x3FAC]  }
0x2c: {  	s7 =	sld [smem:$0x3FAD]  }
0x2d: {  	s3 =	simm.s32 $0x108;
	s8 =	sld [smem:$0x3FAE]  }
0x2e: {  	s3 =	simm.s32 @!p0 $0x1082;
	s9 =	sld [smem:$0x3FAF]  }
0x2f: {  	lr =	sadd.s32 s0, s3;
	s0 =	sld [smem:$0x3FA6]  }
0x30: {  	s3 =	sld [smem:$0x3FA9]  }
0x31: {  	[smem:$0x3FB2] =	sst s10  }
0x32: {  	s10 =	sld [smem:$0x3FB0];
	_ =	sdelay $0x3  }
0x33: {  	p0 =	seq.s32 s10, $0x1;
	s10 =	sld [smem:$0x3FB2];
	_ =	sdelay $0x3  }
0x34: {  	[smem:$0x3FB2] =	sst s10  }
0x35: {  	s10 =	sld [smem:$0x3FB1];
	_ =	sdelay $0x3  }
0x36: {  	p1 =	seq.s32 s10, $0x1;
	s10 =	sld [smem:$0x3FB2];
	_ =	sdelay $0x3  }
0x37: {  	[smem:$0x3FB2] =	sst s10  }
0x38: {  	s10 =	sld [smem:$0x3FB3]  }
0x39: {  	_ = 	snop;
	(pc) =	sbr.ind lr, $3  }
0x3a: {  	_ = 	snop  }
0x3b: {  	_ = 	snop  }
0x3c: {  	p2 =	seq.s32 s10, $0x1;
	s10 =	sld [smem:$0x3FB2]  }
0x3d: {  	_ =	shalt  }
0x3e: {  	_ =	shalt  }
0x3f: {  	_ =	shalt  }
0x40: {  	_ =	shalt  }
0x41: {  	_ =	shalt  }
0x42: {  	_ =	shalt  }
0x43: {  	_ =	shalt  }
0x44: {  	_ =	shalt  }
0x45: {  	_ =	shalt  }
0x46: {  	_ =	shalt  }
0x47: {  	_ =	shalt  }
0x48: {  	_ =	shalt  }
0x49: {  	_ =	shalt  }
0x4a: {  	_ =	shalt  }
0x4b: {  	_ =	shalt  }
0x4c: {  	_ =	shalt  }
0x4d: {  	_ =	shalt  }
0x4e: {  	_ =	shalt  }
0x4f: {  	_ =	shalt  }
0x50: {  	_ =	shalt  }
0x51: {  	_ =	shalt  }
0x52: {  	_ =	shalt  }
0x53: {  	_ =	shalt  }
0x54: {  	_ =	shalt  }
0x55: {  	_ =	shalt  }
0x56: {  	_ =	shalt  }
0x57: {  	_ =	shalt  }
0x58: {  	_ =	shalt  }
0x59: {  	_ =	shalt  }
0x5a: {  	_ =	shalt  }
0x5b: {  	_ =	shalt  }
0x5c: {  	_ =	shalt  }
0x5d: {  	_ =	shalt  }
0x5e: {  	_ =	shalt  }
0x5f: {  	_ =	shalt  }
0x60: {  	_ =	shalt  }
0x61: {  	_ =	shalt  }
0x62: {  	_ =	shalt  }
0x63: {  	_ =	shalt  }
0x64: {  	_ =	shalt  }
0x65: {  	_ =	shalt  }
0x66: {  	_ =	shalt  }
0x67: {  	_ =	shalt  }
0x68: {  	_ =	shalt  }
0x69: {  	_ =	shalt  }
0x6a: {  	_ =	shalt  }
0x6b: {  	_ =	shalt  }
0x6c: {  	_ =	shalt  }
0x6d: {  	_ =	shalt  }
0x6e: {  	_ =	shalt  }
0x6f: {  	_ =	shalt  }
0x70: {  	_ =	shalt  }
0x71: {  	_ =	shalt  }
0x72: {  	_ =	shalt  }
0x73: {  	_ =	shalt  }
0x74: {  	_ =	shalt  }
0x75: {  	_ =	shalt  }
0x76: {  	_ =	shalt  }
0x77: {  	_ =	shalt  }
0x78: {  	_ =	shalt  }
0x79: {  	_ =	shalt  }
0x7a: {  	_ =	shalt  }
0x7b: {  	_ =	shalt  }
0x7c: {  	_ =	shalt  }
0x7d: {  	_ =	shalt  }
0x7e: {  	_ =	shalt  }
0x7f: {  	_ =	shalt  }
0x80: {  	_ =	shalt  }
0x81: {  	_ =	shalt  }
0x82: {  	_ =	shalt  }
0x83: {  	_ =	shalt  }
0x84: {  	_ =	shalt  }
0x85: {  	_ =	shalt  }
0x86: {  	_ =	shalt  }
0x87: {  	_ =	shalt  }
.Lfunc_end0:
.L_simem_size_0:
called_computation_lowered:
.L_overlay_start_0:
0x88: {  	s2 =	sld [smem:$0x3FD9]  }
0x89: {  	s3 =	sld [smem:$0x3FFE];
	_ =	sdelay $0x1  }
0x8a: {  	s1 =	srdreg.scid  }
0x8b: {  	s0 =	sand.u32 $0x1, s1  }
0x8c: {  	s14 =	sshll.u32 s0, $0xA;
	s2 =	sadd.s32 s3, s2  }
0x8d: {  	s2 =	sadd.s32 s2, s14  }
0x8e: {  	[smem:$0x3FBE] =	sst s2  }
0x8f: {  	_ = 	snop  }
0x90: {  	s2 =	sld [smem:$0x3FD0];
	_ =	sdelay $0x2  }
0x91: {  	s4 =	simm.s32 $0xA;
	s5 =	simm.s32 $0x10;
	s15 =	sld [smem:$0x3FC6]  }
0x92: {  	[smem:s5], [sflag:s4] =	dma.local [hbm:s2], $0x1  }
0x93: {  	_ =	swait.eq [sflag:s4], $0x1  }
0x94: {  	[sflag:s4] =	ssyncset.done $0x0  }
0x95: {  	s16 =	sld [smem:$0x10];
	[sflag:s4] =	ssyncadd.s32 $0xFFFFFFFF  }
0x96: {  	s17 =	sld [smem:$0x11];
	(tm) =	ssettm $0x1  }
0x97: {  	s18 =	sld [smem:$0x3FFB];
	_ =	sdelay $0x3  }
0x98: {  	_ =	strace s18  }
0x99: {  	s5 =	sld [smem:$0x3FFC];
	_ =	sdelay $0x3  }
0x9a: {  	_ =	strace s5  }
0x9b: {  	s5 =	sld [smem:$0x3FFD];
	_ =	sdelay $0x3  }
0x9c: {  	_ =	strace s5  }
0x9d: {  	_ =	strace $0x8FFFFFFF  }
0x9e: {  	s19 =	sld [smem:$0x3FDB];
	_ =	sdelay $0x1  }
0x9f: {  	s6 =	simm.s32 $_scs_section_size  }
0xa0: {  	s7 =	simm.s32 $_size__tile_overlayer_lowered;
	s8 =	simm.s32 $_tile_overlayer_lowered  }
0xa1: {  	s22 =	simm.s32 $0x1BFF;
	s21 =	sshll.u32 s8, $0x1;
	s5 =	sadd.s32 s6, s19  }
0xa2: {  	s9 =	simm.s32 $0x0;
	s20 =	sshll.u32 s7, $0x1;
	s7 =	sadd.s32 s21, s5  }
0xa3: {  	[timem:s9], [sflag:s22] =	dma.local [hbm:s7], s20  }
0xa4: {  	_ =	swait.ge [sflag:s22], s20  }
0xa5: {  	s6 =	ssub.s32 $0x0, s20;
	[sflag:s22] =	ssyncset.done $0x0  }
0xa6: {  	[sflag:s22] =	ssyncadd.s32 s6;
	_ =	sdelay $0x1  }
0xa7: {  	s23 =	simm.s32 $0x1B8B  }
0xa8: {  	_ =	swait.ge [sflag:s23], $0x1  }
0xa9: {  	[sflag:s23] =	ssyncset.done $0x0  }
0xaa: {  	s25 =	simm.s32 $0x1B8E;
	s24 =	sld [smem:$0x3FFE];
	[sflag:s23] =	ssyncadd.s32 $0xFFFFFFFF  }
0xab: {  	s26 =	simm.s32 $execute0_lowered;
	[smem:$0x3FD2] =	sst s25  }
0xac: {  	s7 =	sshll.u32 s26, $0x1;
	_ =	strace $0x80000046;
	[dreg:$0x1] =	wrdreg $0xFFFFFFFF  }
0xad: {  	s28 =	simm.s32 $_size_execute0_lowered;
	s5 =	sadd.s32 s5, s7;
	[dreg:$0x0] =	wrdreg $0x0  }
0xae: {  	s7 =	sshll.u32 s28, $0x1;
	[dreg:$0x2] =	wrdreg s5  }
0xaf: {  	[dreg:$0x3] =	wrdreg s7  }
0xb0: {  	[dreg:$0x4] =	wrdreg $0xC0  }
0xb1: {  	_ =	task [dreg:s9], $0x5FFFF  }
0xb2: {  	[dreg:$0x1] =	wrdreg $0xFFFFFFFF  }
0xb3: {  	[dreg:$0x0] =	wrdreg $0x60  }
0xb4: {  	[dreg:$0x2] =	wrdreg s15  }
0xb5: {  	[dreg:$0x3] =	wrdreg s24  }
0xb6: {  	[dreg:$0x4] =	wrdreg s17  }
0xb7: {  	[dreg:$0x5] =	wrdreg s16  }
0xb8: {  	[dreg:$0x6] =	wrdreg $0x9  }
0xb9: {  	_ =	task.clear_ibuf [dreg:s9], $0x7FFFF;
	_ =	strace $0x90000046  }
0xba: {  	s29 =	simm.s32 $0x9;
	_ =	strace $0x80000048  }
0xbb: {  	_ =	swait.ge [sflag:s29], $0x1  }
0xbc: {  	[sflag:s29] =	ssyncadd.s32 $0xFFFFFFFF  }
0xbd: {  	_ =	strace $0x90000048  }
0xbe: {  	_ =	sfence  }
0xbf: {  	s30 =	sld [smem:$0x0];
	_ =	sdelay $0x2  }
0xc0: {  	s31 =	sshll.u32 s1, $0xD;
	s1 =	sshrl.u32 s1, $0x2  }
0xc1: {  	s3 =	sand.u32 $0x4000, s31;
	s1 =	sadd.s32 s1, s30  }
0xc2: {  	s0 =	sor.u32 s3, s0;
	s1 =	sshll.u32 s1, $0x11  }
0xc3: {  	s0 =	sor.u32 s1, s0  }
0xc4: {  	s0 =	sadd.s32 $0x8F2B, s0  }
0xc5: {  	[sflag:s0] =	ssyncadd.remote.s32 $0x1  }
0xc6: {  	_ =	sfence.sel $0xFFFF  }
0xc7: {  	[dreg:$0x0] =	wrdreg $0xFFFFFFFF;
	(pc) =	sbr.abs _section_cstart, $3  }
0xc8: {  	[dreg:$0x1] =	wrdreg $0xFFFFFFFF  }
0xc9: {  	_ =	task.clear_ibuf [dreg:s9], $0x2FFFF;
	_ =	strace $0x9FFFFFFF  }
0xca: {  	(tm) =	ssettm $0x7FFFFFFF  }
0xcb: {  	_ =	shalt  }
tec
execute0_lowered:
.L_overlay_start_1:
0x0: {  	(tag) =	ssettag $0x1  }
0x1: {  	s1 =	srdreg.scid  }
0x2: {  	s6 =	sand.u32 $0x1, s1  }
0x3: {  	s2 =	stileid.u32;
	s8 =	sshll.u32 s6, $0x4  }
0x4: {  	s9 =	sor.u32 s2, s8  }
0x5: {  	s0 =	rddreg [dreg:$0x0];
	p0 =	sgt.u32 s9, $0xE  }
.Ltmp0:
0x6: {  	s5 =	rddreg [dreg:$0x1];
	(pc) =	sbr.rel @p0 .LBB2_3-.Ltmp0, $4  }
0x7: {  	s3 =	rddreg [dreg:$0x2]  }
0x8: {  	s7 =	rddreg [dreg:$0x3];
	s4 =	simm.s32 $0x0  }
0x9: {  	[smem:$0x7FF] =	sst s4  }
0xa: {  	s1 =	rddreg [dreg:$0x4];
	_ =	strace $0x80000047  }
0xb: {  	s6 =	ssub.s32 $0x2, s6;
	s8 =	smul.u32 $0x60, s9;
	v0 =	vlaneseq.u32  }
0xc: {  	s5 =	sadd.s32 $0x1600, s5;
	v1 =	vmov s9;
	s9 =	simm.s32 $0x2;
	s11 =	simm.s32 $0x300;
	v63 =	vand.u32 $0x3, v0;
	v0 =	vshrl.u32 v0, $0x2  }
0xd: {  	s12 =	simm.s32 $0xB00;
	s13 =	simm.s32 $0x1;
	s10 =	sshrl.u32 s6, $0x1;
	[tilespmem:$0x1FFD0] =	vst v1;
	v0 =	vmul.u32 $0x8, v0  }
0xe: {  	s14 =	simm.s32 $0xF00;
	s10 =	ssub.s32 s6, s10;
	s6 =	sadd.s32 $0x200, s0;
	[tilespmem:$0x1FFE0] =	vst v63  }
0xf: {  	vm0 =	vmmov $0xffff;
	vm1 =	vmmov $0xff;
	s7 =	sadd.s32 s7, s8;
	s8 =	smax.u32 s10, $0x1;
	s10 =	simm.s32 $0x80;
	[tilespmem:$0x1FFF0] =	vst v0  }
.LBB2_2:
0x10: {  	[tilespmem:s4], [sflag:$0x2] =	stream.linear.gather [hbm4b:s5+s4], $0x80, $0x38;
	[tilespmem:$0x1200] =	vst v63  }
0x11: {  	_ =	swait.ge [sflag:s9], $0x80  }
0x12: {  	[sflag:s9] =	ssyncset.done $0x0  }
0x13: {  	[sflag:s9] =	ssyncadd.s32 $0xFFFFFF80  }
0x14: {  	[tilespmem:s10], [sflag:$0x2] =	stream.linear.gather [hbm4b:s3+s4], $0x200, $0x38;
	[tilespmem:$0x1200] =	vst v63  }
0x15: {  	_ =	swait.ge [sflag:s9], $0x200  }
0x16: {  	[sflag:s9] =	ssyncset.done $0x0  }
0x17: {  	[sflag:s9] =	ssyncadd.s32 $0xFFFFFE00  }
0x18: {  	v0 =	vld [tilespmem:$0x0];
	_ =	sdelay $0x1  }
0x19: {  	v1 =	vld [tilespmem:$0x1FFD0];
	_ =	sdelay $0x2  }
0x1a: {  	v0 =	vmul.u32 $0xF, v0;
	_ =	sdelay $0x1  }
0x1b: {  	v0 =	vadd.s32 v1, v0  }
0x1c: {  	[tilespmem:$0x280] =	vst v0  }
0x1d: {  	v0 =	vld.msk [tilespmem:$0x280], $0xf;
	_ =	sdelay $0x3  }
0x1e: {  	v60 =	vld [tilespmem:$0x1FFE0]  }
0x1f: {  	v59 =	vshrl.u32 v0, $0x3  }
0x20: {  	v61 =	vld [tilespmem:$0x1FFF0];
	v1 =	vmul.u32 $0x30, v59  }
0x21: {  	v0 =	vand.u32 $0x7, v0  }
0x22: {  	v0 =	vor.u32 v0, v1  }
0x23: {  	v0 =	vperm.xlane v0, v60;
	_ =	sdelay $0x1  }
0x24: {  	v0 =	vadd.s32 v61, v0;
	_ =	sdelay $0x4  }
0x25: {  	[tilespmem:s11], [sflag:$0x1] =	stream.indirect_vreg.gather [hbm4b:s0+s4], $0x80, v0, vm0, $0xb8;
	[tilespmem:$0x1200] =	vst v63  }
0x26: {  	_ = 	snop  }
0x27: {  	[tilespmem:s12], [sflag:$0x1] =	stream.indirect_vreg.gather [hbm4b:s6+s4], $0x80, v0, vm1, $0xb8;
	[tilespmem:$0x1200] =	vst v63  }
0x28: {  	_ =	swait.ge [sflag:s13], $0xC00  }
0x29: {  	[sflag:s13] =	ssyncset.done $0x0  }
0x2a: {  	[sflag:s13] =	ssyncadd.s32 $0xFFFFF400  }
0x2b: {  	v0 =	vld [tilespmem:$0x670];
	_ =	sdelay $0x4  }
0x2c: {  	[tilespmem:$0x1FD30] =	vst v0;
	v0 =	vld [tilespmem:$0x6F0];
	_ =	sdelay $0x4  }
0x2d: {  	[tilespmem:$0x1FDA0] =	vst v0;
	v0 =	vld [tilespmem:$0x700];
	_ =	sdelay $0x4  }
0x2e: {  	[tilespmem:$0x1FD40] =	vst v0;
	v0 =	vld [tilespmem:$0x780];
	_ =	sdelay $0x4  }
0x2f: {  	[tilespmem:$0x1FD50] =	vst v0;
	v0 =	vld [tilespmem:$0x800];
	_ =	sdelay $0x4  }
0x30: {  	[tilespmem:$0x1FD90] =	vst v0;
	v0 =	vld [tilespmem:$0x880];
	_ =	sdelay $0x4  }
0x31: {  	[tilespmem:$0x1FDC0] =	vst v0;
	v0 =	vld [tilespmem:$0x710];
	_ =	sdelay $0x3  }
0x32: {  	v5 =	vld [tilespmem:$0x80]  }
0x33: {  	[tilespmem:$0x1FD60] =	vst v0;
	v0 =	vld [tilespmem:$0x790]  }
0x34: {  	v6 =	vld [tilespmem:$0x100]  }
0x35: {  	v4 =	vld [tilespmem:$0x180]  }
0x36: {  	v3 =	vld [tilespmem:$0x200]  }
0x37: {  	v26 =	vld [tilespmem:$0x300]  }
0x38: {  	[tilespmem:$0x1FD70] =	vst v0;
	v0 =	vld [tilespmem:$0x810]  }
0x39: {  	v28 =	vld [tilespmem:$0x380]  }
0x3a: {  	v35 =	vld [tilespmem:$0x400]  }
0x3b: {  	v39 =	vld [tilespmem:$0x480]  }
0x3c: {  	v44 =	vld [tilespmem:$0x310]  }
0x3d: {  	[tilespmem:$0x1FDB0] =	vst v0;
	v0 =	vld [tilespmem:$0x890]  }
0x3e: {  	v46 =	vld [tilespmem:$0x390]  }
0x3f: {  	v47 =	vld [tilespmem:$0x410]  }
0x40: {  	v48 =	vld [tilespmem:$0x490]  }
0x41: {  	v49 =	vld [tilespmem:$0x320]  }
0x42: {  	[tilespmem:$0x1FDD0] =	vst v0;
	v0 =	vld [tilespmem:$0x720]  }
0x43: {  	v50 =	vld [tilespmem:$0x3A0]  }
0x44: {  	v51 =	vld [tilespmem:$0x420]  }
0x45: {  	v56 =	vld [tilespmem:$0x4A0]  }
0x46: {  	v55 =	vld [tilespmem:$0x330]  }
0x47: {  	[tilespmem:$0x1FDE0] =	vst v0;
	v0 =	vld [tilespmem:$0x7A0]  }
0x48: {  	v57 =	vld [tilespmem:$0x3B0]  }
0x49: {  	v63 =	vld [tilespmem:$0x430]  }
0x4a: {  	v11 =	vld [tilespmem:$0x4B0]  }
0x4b: {  	v8 =	vld [tilespmem:$0x340]  }
0x4c: {  	[tilespmem:$0x1FDF0] =	vst v0;
	v0 =	vld [tilespmem:$0x820]  }
0x4d: {  	v1 =	vld [tilespmem:$0x3C0]  }
0x4e: {  	v10 =	vld [tilespmem:$0x440]  }
0x4f: {  	v13 =	vld [tilespmem:$0x4C0]  }
0x50: {  	v2 =	vld [tilespmem:$0x350]  }
0x51: {  	[tilespmem:$0x1FE20] =	vst v0;
	v0 =	vld [tilespmem:$0x8A0]  }
0x52: {  	v7 =	vld [tilespmem:$0x3D0]  }
0x53: {  	v9 =	vld [tilespmem:$0x450]  }
0x54: {  	v12 =	vld [tilespmem:$0x4D0]  }
0x55: {  	v17 =	vld [tilespmem:$0x360]  }
0x56: {  	[tilespmem:$0x1FE30] =	vst v0;
	v0 =	vld [tilespmem:$0x730]  }
0x57: {  	v14 =	vld [tilespmem:$0x3E0]  }
0x58: {  	v21 =	vld [tilespmem:$0x460]  }
0x59: {  	v18 =	vld [tilespmem:$0x4E0]  }
0x5a: {  	v15 =	vld [tilespmem:$0x370]  }
0x5b: {  	[tilespmem:$0x1FE00] =	vst v0;
	v0 =	vld [tilespmem:$0x7B0]  }
0x5c: {  	v16 =	vld [tilespmem:$0x3F0]  }
0x5d: {  	v19 =	vld [tilespmem:$0x470]  }
0x5e: {  	v20 =	vld [tilespmem:$0x4F0]  }
0x5f: {  	v25 =	vld [tilespmem:$0x500]  }
0x60: {  	[tilespmem:$0x1FE10] =	vst v0;
	v0 =	vld [tilespmem:$0x830]  }
0x61: {  	v22 =	vld [tilespmem:$0x580]  }
0x62: {  	v29 =	vld [tilespmem:$0x600]  }
0x63: {  	v36 =	vld [tilespmem:$0x680]  }
0x64: {  	v23 =	vld [tilespmem:$0x510]  }
0x65: {  	[tilespmem:$0x1FE40] =	vst v0;
	v0 =	vld [tilespmem:$0x8B0]  }
0x66: {  	v24 =	vld [tilespmem:$0x590]  }
0x67: {  	v27 =	vld [tilespmem:$0x610]  }
0x68: {  	v37 =	vld [tilespmem:$0x690]  }
0x69: {  	v32 =	vld [tilespmem:$0x520]  }
0x6a: {  	[tilespmem:$0x1FE50] =	vst v0;
	v0 =	vld [tilespmem:$0x740]  }
0x6b: {  	v52 =	vld [tilespmem:$0x5A0]  }
0x6c: {  	v33 =	vld [tilespmem:$0x620]  }
0x6d: {  	v38 =	vld [tilespmem:$0x6A0]  }
0x6e: {  	v31 =	vld [tilespmem:$0x530]  }
0x6f: {  	[tilespmem:$0x1FE60] =	vst v0;
	v0 =	vld [tilespmem:$0x7C0]  }
0x70: {  	v30 =	vld [tilespmem:$0x5B0]  }
0x71: {  	v34 =	vld [tilespmem:$0x630]  }
0x72: {  	v40 =	vld [tilespmem:$0x6B0]  }
0x73: {  	v42 =	vld [tilespmem:$0x540]  }
0x74: {  	[tilespmem:$0x1FE70] =	vst v0;
	v0 =	vld [tilespmem:$0x840]  }
0x75: {  	v45 =	vld [tilespmem:$0x5C0]  }
0x76: {  	v58 =	vld [tilespmem:$0x640]  }
0x77: {  	v59 =	vld [tilespmem:$0x6C0]  }
0x78: {  	v43 =	vld [tilespmem:$0x550]  }
0x79: {  	[tilespmem:$0x1FEA0] =	vst v0;
	v0 =	vld [tilespmem:$0x8C0]  }
0x7a: {  	v41 =	vld [tilespmem:$0x5D0]  }
0x7b: {  	v54 =	vld [tilespmem:$0x650]  }
0x7c: {  	v62 =	vld [tilespmem:$0x560]  }
0x7d: {  	v60 =	vld [tilespmem:$0x660]  }
0x7e: {  	v26 =	vmul.f32 v26, v5;
	[tilespmem:$0x1FEC0] =	vst v0;
	v0 =	vld [tilespmem:$0x750]  }
0x7f: {  	v53 =	vld [tilespmem:$0x6D0];
	v28 =	vmul.f32 v28, v6;
	v44 =	vmul.f32 v44, v5  }
0x80: {  	v61 =	vld [tilespmem:$0x5E0];
	v46 =	vmul.f32 v46, v6;
	v8 =	vmul.f32 v8, v5  }
0x81: {  	[tilespmem:$0x1FD10] =	vst v62;
	v62 =	vld [tilespmem:$0x6E0];
	v1 =	vmul.f32 v1, v6;
	v2 =	vmul.f32 v2, v5  }
0x82: {  	[tilespmem:$0x1FD20] =	vst v60;
	v60 =	vld [tilespmem:$0x5F0];
	v7 =	vmul.f32 v7, v6;
	v10 =	vmul.f32 v10, v4  }
0x83: {  	v9 =	vmul.f32 v9, v4;
	v26 =	vadd.f32 v28, v26;
	v28 =	vmul.f32 v35, v4;
	[tilespmem:$0x1FE80] =	vst v0;
	v0 =	vld [tilespmem:$0x7D0]  }
0x84: {  	v44 =	vadd.f32 v46, v44;
	v46 =	vmul.f32 v47, v4;
	v47 =	vmul.f32 v48, v3;
	v35 =	vld [tilespmem:$0x760]  }
0x85: {  	v48 =	vmul.f32 v50, v6;
	v1 =	vadd.f32 v1, v8;
	v2 =	vadd.f32 v7, v2;
	v50 =	vld [tilespmem:$0xA80]  }
0x86: {  	v26 =	vadd.f32 v28, v26;
	v28 =	vmul.f32 v49, v5;
	v49 =	vmul.f32 v57, v6;
	v57 =	vld [tilespmem:$0x860]  }
0x87: {  	v44 =	vadd.f32 v46, v44;
	v10 =	vadd.f32 v10, v1;
	v1 =	vld [tilespmem:$0x9B0]  }
0x88: {  	v12 =	vmul.f32 v12, v3;
	v2 =	vadd.f32 v9, v2;
	[tilespmem:$0x1FE90] =	vst v0;
	v0 =	vld [tilespmem:$0x850]  }
0x89: {  	v46 =	vmul.f32 v55, v5;
	[tilespmem:$0x1FD80] =	vst v62;
	v62 =	vld [tilespmem:$0x570];
	v55 =	vadd.f32 v47, v44  }
0x8a: {  	v15 =	vmul.f32 v15, v5;
	v16 =	vmul.f32 v16, v6;
	v44 =	vld [tilespmem:$0x8F0];
	v2 =	vadd.f32 v12, v2  }
0x8b: {  	v47 =	vld [tilespmem:$0xA00];
	[tilespmem:$0x1FF10] =	vst v55  }
0x8c: {  	v55 =	vld [tilespmem:$0x7F0];
	[tilespmem:$0x1FF50] =	vst v2;
	v2 =	vadd.f32 v16, v15;
	v16 =	vmul.f32 v23, v5  }
0x8d: {  	v23 =	vmul.f32 v52, v6;
	v52 =	vld [tilespmem:$0xAA0];
	[tilespmem:$0x1FEB0] =	vst v0;
	v0 =	vmul.f32 v39, v3  }
0x8e: {  	v15 =	vmul.f32 v22, v6;
	v22 =	vmul.f32 v32, v5;
	[tilespmem:$0x1FED0] =	vst v57;
	v57 =	vadd.f32 v49, v46;
	v46 =	vld [tilespmem:$0x900]  }
0x8f: {  	v49 =	vld [tilespmem:$0x980];
	v0 =	vadd.f32 v0, v26  }
0x90: {  	v63 =	vmul.f32 v63, v4;
	v8 =	vadd.f32 v23, v22;
	v39 =	vld [tilespmem:$0x8D0]  }
0x91: {  	v23 =	vmul.f32 v54, v4;
	v54 =	vld [tilespmem:$0x1FD80];
	v26 =	vmul.f32 v51, v4;
	[tilespmem:$0x1FF00] =	vst v0;
	v0 =	vadd.f32 v48, v28  }
0x92: {  	v51 =	vld [tilespmem:$0x8E0]  }
0x93: {  	v28 =	vadd.f32 v63, v57;
	v48 =	vld [tilespmem:$0x870];
	v57 =	vmul.f32 v56, v3;
	v0 =	vadd.f32 v26, v0  }
0x94: {  	v63 =	vmul.f32 v11, v3;
	v56 =	vld [tilespmem:$0x910]  }
0x95: {  	v11 =	vmul.f32 v13, v3;
	[tilespmem:$0x1FEE0] =	vst v39;
	v39 =	vld [tilespmem:$0x7E0];
	v0 =	vadd.f32 v57, v0  }
0x96: {  	v7 =	vadd.f32 v63, v28;
	v63 =	vld [tilespmem:$0x990]  }
0x97: {  	v14 =	vmul.f32 v14, v6;
	v13 =	vmul.f32 v17, v5;
	v28 =	vld [tilespmem:$0xA90];
	[tilespmem:$0x1FF20] =	vst v0;
	v0 =	vadd.f32 v11, v10  }
0x98: {  	v12 =	vmul.f32 v19, v4;
	v19 =	vmul.f32 v29, v4;
	v26 =	vld [tilespmem:$0x920];
	[tilespmem:$0x1FEF0] =	vst v51  }
0x99: {  	v29 =	vmul.f32 v30, v6;
	v17 =	vmul.f32 v21, v4;
	v51 =	vld [tilespmem:$0x770];
	[tilespmem:$0x1FF40] =	vst v0;
	v0 =	vadd.f32 v14, v13  }
0x9a: {  	v2 =	vadd.f32 v12, v2;
	v21 =	vmul.f32 v18, v3;
	v57 =	vld [tilespmem:$0xA10];
	v13 =	vmul.f32 v20, v3  }
0x9b: {  	v11 =	vld [tilespmem:$0xA30];
	v14 =	vmul.f32 v25, v5;
	v0 =	vadd.f32 v17, v0;
	v17 =	vmul.f32 v24, v6  }
0x9c: {  	v25 =	vld [tilespmem:$0x9A0];
	v24 =	vmul.f32 v31, v5;
	v31 =	vmul.f32 v33, v4  }
0x9d: {  	v2 =	vadd.f32 v13, v2;
	v13 =	vld [tilespmem:$0x930];
	v33 =	vmul.f32 v34, v4;
	v34 =	vmul.f32 v38, v3  }
0x9e: {  	v18 =	vadd.f32 v15, v14;
	v38 =	vmul.f32 v40, v3;
	v40 =	vmul.f32 v42, v5;
	v15 =	vld [tilespmem:$0x950]  }
0x9f: {  	v42 =	vmul.f32 v45, v6;
	v45 =	vmul.f32 v41, v6;
	v41 =	vld [tilespmem:$0x1FD60]  }
0xa0: {  	v0 =	vadd.f32 v21, v0;
	v21 =	vmul.f32 v27, v4;
	v27 =	vld [tilespmem:$0xA20]  }
0xa1: {  	[tilespmem:$0x1FF30] =	vst v7;
	v7 =	vadd.f32 v29, v24;
	v29 =	vld [tilespmem:$0x1FD10]  }
0xa2: {  	v20 =	vadd.f32 v17, v16;
	v17 =	vld [tilespmem:$0xAD0]  }
0xa3: {  	v43 =	vmul.f32 v43, v5;
	v8 =	vadd.f32 v31, v8;
	v31 =	vmul.f32 v62, v5;
	v62 =	vld [tilespmem:$0x960]  }
0xa4: {  	v9 =	vadd.f32 v42, v40;
	v40 =	vld [tilespmem:$0x1FD50]  }
0xa5: {  	v12 =	vadd.f32 v45, v43;
	v43 =	vld [tilespmem:$0x1FD70]  }
0xa6: {  	v24 =	vmul.f32 v53, v3;
	v53 =	vld [tilespmem:$0xAE0]  }
0xa7: {  	[tilespmem:$0x1FF70] =	vst v2;
	v2 =	vadd.f32 v21, v20;
	v21 =	vld [tilespmem:$0xAB0]  }
0xa8: {  	v32 =	vmul.f32 v37, v3;
	v37 =	vadd.f32 v33, v7;
	v7 =	vld [tilespmem:$0xA40]  }
0xa9: {  	[tilespmem:$0x1FF60] =	vst v0;
	v0 =	vadd.f32 v19, v18;
	v18 =	vld [tilespmem:$0x9D0]  }
0xaa: {  	v58 =	vmul.f32 v58, v4;
	v14 =	vadd.f32 v23, v12;
	v12 =	vld [tilespmem:$0xA50]  }
0xab: {  	v8 =	vadd.f32 v34, v8;
	v34 =	vld [tilespmem:$0x1FD20]  }
0xac: {  	v9 =	vadd.f32 v58, v9;
	v58 =	vld [tilespmem:$0x9E0]  }
0xad: {  	v42 =	vmul.f32 v41, v5;
	v41 =	vld [tilespmem:$0x1FDF0]  }
0xae: {  	v59 =	vmul.f32 v59, v3;
	[tilespmem:$0x1FFA0] =	vst v8;
	v8 =	vld [tilespmem:$0x9C0]  }
0xaf: {  	v30 =	vmul.f32 v36, v3;
	v36 =	vadd.f32 v32, v2;
	v2 =	vadd.f32 v38, v37;
	v37 =	vld [tilespmem:$0x1FD30]  }
0xb0: {  	v38 =	vld [tilespmem:$0x1FD40]  }
0xb1: {  	v22 =	vadd.f32 v59, v9;
	v59 =	vld [tilespmem:$0x1FD90]  }
0xb2: {  	v32 =	vmul.f32 v60, v6;
	v60 =	vld [tilespmem:$0x1FDA0]  }
0xb3: {  	v0 =	vadd.f32 v30, v0;
	v30 =	vmul.f32 v61, v6;
	v61 =	vld [tilespmem:$0x1FDB0]  }
0xb4: {  	v45 =	vmul.f32 v43, v6;
	v43 =	vld [tilespmem:$0x1FE10]  }
0xb5: {  	[tilespmem:$0x1FF80] =	vst v0;
	v0 =	vld [tilespmem:$0x940]  }
0xb6: {  	[tilespmem:$0x1FFB0] =	vst v2;
	v2 =	vld [tilespmem:$0xAC0]  }
0xb7: {  	v10 =	vmul.f32 v29, v5;
	[tilespmem:$0x1FF90] =	vst v36;
	v36 =	vadd.f32 v32, v31;
	v31 =	vld [tilespmem:$0x1FDC0]  }
0xb8: {  	[tilespmem:$0xFC0] =	vst v22;
	v22 =	vld [tilespmem:$0xE90]  }
0xb9: {  	v33 =	vadd.f32 v30, v10;
	v10 =	vmul.f32 v34, v4;
	v34 =	vld [tilespmem:$0x9F0]  }
0xba: {  	v20 =	vadd.f32 v45, v42;
	v42 =	vld [tilespmem:$0x1FE00]  }
0xbb: {  	v45 =	vld [tilespmem:$0x1FE20]  }
0xbc: {  	v19 =	vmul.f32 v40, v6;
	v9 =	vadd.f32 v10, v33;
	v33 =	vld [tilespmem:$0x1FDD0]  }
0xbd: {  	v14 =	vadd.f32 v24, v14;
	v16 =	vmul.f32 v37, v4;
	v24 =	vmul.f32 v59, v4;
	v59 =	vld [tilespmem:$0x1FE30]  }
0xbe: {  	v10 =	vmul.f32 v38, v5;
	v23 =	vmul.f32 v60, v3;
	v60 =	vld [tilespmem:$0x1FE40]  }
0xbf: {  	[tilespmem:$0x1FFC0] =	vst v14;
	v29 =	vmul.f32 v61, v4;
	v14 =	vadd.f32 v16, v36;
	v16 =	vld [tilespmem:$0xA60]  }
0xc0: {  	v10 =	vadd.f32 v19, v10;
	v19 =	vmul.f32 v54, v3;
	v54 =	vld [tilespmem:$0x970]  }
0xc1: {  	v32 =	vadd.f32 v29, v20;
	v29 =	vld [tilespmem:$0xA70]  }
0xc2: {  	v8 =	vmul.f32 v8, v6;
	v36 =	vld [tilespmem:$0x1FDE0];
	v0 =	vmul.f32 v0, v5  }
0xc3: {  	v38 =	vadd.f32 v23, v14;
	v14 =	vmul.f32 v42, v5;
	v42 =	vld [tilespmem:$0xB00]  }
0xc4: {  	v40 =	vadd.f32 v19, v9;
	v8 =	vadd.f32 v8, v0;
	v0 =	vmul.f32 v52, v3;
	v52 =	vld [tilespmem:$0x1FF00]  }
0xc5: {  	v24 =	vadd.f32 v24, v10;
	v10 =	vmul.f32 v31, v3;
	v19 =	vmul.f32 v33, v3;
	v33 =	vld [tilespmem:$0x1FE50]  }
0xc6: {  	v20 =	vmul.f32 v59, v3;
	v61 =	vmul.f32 v60, v4;
	v59 =	vld [tilespmem:$0x1FE70]  }
0xc7: {  	v60 =	vld [tilespmem:$0x1FE80];
	v9 =	vmul.f32 v36, v5;
	v36 =	vadd.f32 v19, v32;
	v19 =	vmul.f32 v43, v6  }
0xc8: {  	v37 =	vadd.f32 v10, v24;
	v10 =	vmul.f32 v41, v6;
	v41 =	vld [tilespmem:$0xAF0]  }
0xc9: {  	[tilespmem:$0xFF0] =	vst v38;
	v38 =	vld [tilespmem:$0xD20];
	v19 =	vadd.f32 v19, v14  }
0xca: {  	v9 =	vadd.f32 v10, v9;
	v10 =	vmul.f32 v45, v4;
	v45 =	vld [tilespmem:$0x1FE60]  }
0xcb: {  	v19 =	vadd.f32 v61, v19;
	v61 =	vld [tilespmem:$0x1FE90]  }
0xcc: {  	v43 =	vld [tilespmem:$0xB80]  }
0xcd: {  	v32 =	vld [tilespmem:$0xC00]  }
0xce: {  	v14 =	vld [tilespmem:$0xC80]  }
0xcf: {  	[tilespmem:$0xF00] =	vst v52;
	v52 =	vld [tilespmem:$0x1FF30];
	v24 =	vmul.f32 v33, v3;
	v33 =	vmul.f32 v60, v5  }
0xd0: {  	[tilespmem:$0x1010] =	vst v36;
	v36 =	vld [tilespmem:$0xEA0];
	v9 =	vadd.f32 v10, v9;
	v10 =	vmul.f32 v45, v5;
	v45 =	vmul.f32 v61, v6  }
0xd1: {  	v60 =	vld [tilespmem:$0x1FEA0]  }
0xd2: {  	v61 =	vadd.f32 v45, v33;
	v33 =	vld [tilespmem:$0x1FEB0]  }
0xd3: {  	v30 =	vmul.f32 v59, v6;
	v59 =	vld [tilespmem:$0xB10]  }
0xd4: {  	v31 =	vadd.f32 v20, v9;
	v23 =	vadd.f32 v24, v19;
	v19 =	vmul.f32 v51, v5;
	v51 =	vld [tilespmem:$0x1FEC0]  }
0xd5: {  	[tilespmem:$0xF30] =	vst v52;
	v52 =	vld [tilespmem:$0x1FF50]  }
0xd6: {  	[tilespmem:$0x1020] =	vst v31;
	v31 =	vld [tilespmem:$0xEC0]  }
0xd7: {  	v30 =	vadd.f32 v30, v10;
	v10 =	vmul.f32 v60, v4;
	v60 =	vld [tilespmem:$0xB90];
	v20 =	vmul.f32 v33, v4  }
0xd8: {  	v45 =	vld [tilespmem:$0xC10]  }
0xd9: {  	v20 =	vadd.f32 v20, v61;
	v61 =	vmul.f32 v55, v6;
	v55 =	vld [tilespmem:$0x1FED0]  }
0xda: {  	v9 =	vadd.f32 v10, v30;
	v30 =	vld [tilespmem:$0xC90]  }
0xdb: {  	v10 =	vmul.f32 v35, v5;
	v35 =	vld [tilespmem:$0xB20]  }
0xdc: {  	v39 =	vmul.f32 v39, v6;
	v24 =	vmul.f32 v51, v3;
	v51 =	vld [tilespmem:$0xBA0]  }
0xdd: {  	v48 =	vmul.f32 v48, v4;
	v33 =	vadd.f32 v61, v19;
	v61 =	vld [tilespmem:$0x1FEE0]  }
0xde: {  	[tilespmem:$0xF50] =	vst v52;
	v52 =	vld [tilespmem:$0xD00];
	v10 =	vadd.f32 v39, v10;
	v39 =	vmul.f32 v55, v4  }
0xdf: {  	v44 =	vmul.f32 v44, v3;
	v33 =	vadd.f32 v48, v33;
	v48 =	vld [tilespmem:$0xB30]  }
0xe0: {  	v19 =	vadd.f32 v24, v9;
	v9 =	vadd.f32 v39, v10;
	v39 =	vld [tilespmem:$0x1FEF0]  }
0xe1: {  	v63 =	vmul.f32 v63, v6;
	v33 =	vadd.f32 v44, v33;
	v44 =	vmul.f32 v56, v5;
	v56 =	vld [tilespmem:$0xB40]  }
0xe2: {  	v55 =	vmul.f32 v61, v3;
	v61 =	vld [tilespmem:$0xC20]  }
0xe3: {  	v44 =	vadd.f32 v63, v44;
	v63 =	vmul.f32 v57, v4;
	v57 =	vld [tilespmem:$0xBC0]  }
0xe4: {  	v24 =	vadd.f32 v55, v20;
	v55 =	vld [tilespmem:$0xC30]  }
0xe5: {  	v44 =	vadd.f32 v63, v44;
	v63 =	vld [tilespmem:$0xC40];
	v10 =	vmul.f32 v39, v3  }
0xe6: {  	v28 =	vmul.f32 v28, v3;
	v26 =	vmul.f32 v26, v5;
	[tilespmem:$0x1050] =	vst v24;
	v24 =	vld [tilespmem:$0xD40]  }
0xe7: {  	v39 =	vld [tilespmem:$0xCA0];
	v20 =	vadd.f32 v10, v9;
	v9 =	vmul.f32 v46, v5;
	v10 =	vmul.f32 v49, v6  }
0xe8: {  	v13 =	vmul.f32 v13, v5;
	v46 =	vld [tilespmem:$0xBB0];
	v49 =	vmul.f32 v1, v6;
	v1 =	vadd.f32 v28, v44  }
0xe9: {  	v44 =	vmul.f32 v15, v5;
	v28 =	vld [tilespmem:$0xCD0];
	v9 =	vadd.f32 v10, v9;
	v10 =	vmul.f32 v47, v4  }
0xea: {  	v15 =	vmul.f32 v62, v5;
	v62 =	vmul.f32 v34, v6;
	v34 =	vld [tilespmem:$0xB70]  }
0xeb: {  	v25 =	vmul.f32 v25, v6;
	v47 =	vmul.f32 v50, v3;
	v50 =	vld [tilespmem:$0xCB0];
	v9 =	vadd.f32 v10, v9  }
0xec: {  	v13 =	vadd.f32 v49, v13;
	v49 =	vmul.f32 v21, v3;
	v21 =	vld [tilespmem:$0xB60]  }
0xed: {  	v10 =	vadd.f32 v47, v9;
	v9 =	vadd.f32 v25, v26;
	v47 =	vmul.f32 v27, v4;
	v26 =	vld [tilespmem:$0xCC0]  }
0xee: {  	v27 =	vld [tilespmem:$0xB50]  }
0xef: {  	v11 =	vmul.f32 v11, v4;
	v25 =	vld [tilespmem:$0xBD0];
	v9 =	vadd.f32 v47, v9  }
0xf0: {  	v7 =	vmul.f32 v7, v4;
	v47 =	vmul.f32 v18, v6;
	v18 =	vld [tilespmem:$0xC50]  }
0xf1: {  	v11 =	vadd.f32 v11, v13;
	v0 =	vadd.f32 v0, v9;
	v9 =	vld [tilespmem:$0xBE0]  }
0xf2: {  	v12 =	vmul.f32 v12, v4;
	v7 =	vadd.f32 v7, v8;
	v13 =	vadd.f32 v47, v44;
	v47 =	vld [tilespmem:$0x1FF10]  }
0xf3: {  	v16 =	vmul.f32 v16, v4;
	v44 =	vmul.f32 v2, v3;
	v2 =	vadd.f32 v49, v11;
	v49 =	vld [tilespmem:$0x1FF20]  }
0xf4: {  	v11 =	vadd.f32 v12, v13;
	v12 =	vmul.f32 v17, v3;
	v13 =	vld [tilespmem:$0xC60];
	v17 =	vmul.f32 v58, v6  }
0xf5: {  	v14 =	vmul.f32 v14, v3;
	v36 =	vmul.f32 v36, v3;
	v7 =	vadd.f32 v44, v7;
	v44 =	vld [tilespmem:$0xCE0]  }
0xf6: {  	v58 =	vmul.f32 v54, v5;
	v54 =	vld [tilespmem:$0x1FF60];
	v15 =	vadd.f32 v17, v15;
	v17 =	vmul.f32 v53, v3  }
0xf7: {  	v53 =	vmul.f32 v29, v4;
	v29 =	vmul.f32 v41, v3;
	v41 =	vld [tilespmem:$0xC70]  }
0xf8: {  	v30 =	vmul.f32 v30, v3;
	v8 =	vadd.f32 v12, v11;
	v11 =	vadd.f32 v62, v58;
	v58 =	vld [tilespmem:$0x1FF70]  }
0xf9: {  	v12 =	vmul.f32 v59, v5;
	v59 =	vmul.f32 v32, v4;
	v32 =	vld [tilespmem:$0xD80]  }
0xfa: {  	[tilespmem:$0x1000] =	vst v37;
	v37 =	vmul.f32 v52, v5;
	v62 =	vmul.f32 v60, v6;
	v60 =	vld [tilespmem:$0x1FF90]  }
0xfb: {  	v56 =	vmul.f32 v56, v5;
	v57 =	vmul.f32 v57, v6;
	[tilespmem:$0xF20] =	vst v49;
	v49 =	vld [tilespmem:$0x1FF40]  }
0xfc: {  	v46 =	vmul.f32 v46, v6;
	v27 =	vmul.f32 v27, v5;
	[tilespmem:$0xF10] =	vst v47;
	v47 =	vld [tilespmem:$0xBF0]  }
0xfd: {  	v15 =	vadd.f32 v16, v15;
	v16 =	vmul.f32 v42, v5;
	v42 =	vmul.f32 v43, v6;
	v43 =	vld [tilespmem:$0xCF0]  }
0xfe: {  	v25 =	vmul.f32 v25, v6;
	v12 =	vadd.f32 v62, v12;
	v62 =	vmul.f32 v45, v4;
	v45 =	vld [tilespmem:$0xE80]  }
0xff: {  	[tilespmem:$0xFE0] =	vst v40;
	v26 =	vmul.f32 v26, v3;
	v11 =	vadd.f32 v53, v11;
	v53 =	vmul.f32 v35, v5;
	v35 =	vld [tilespmem:$0xD90]  }
0x100: {  	v18 =	vmul.f32 v18, v4;
	v9 =	vmul.f32 v9, v6;
	[tilespmem:$0xF60] =	vst v54;
	v16 =	vadd.f32 v42, v16;
	v42 =	vld [tilespmem:$0xE00]  }
0x101: {  	v54 =	vmul.f32 v51, v6;
	v13 =	vmul.f32 v13, v4;
	[tilespmem:$0xF70] =	vst v58;
	v58 =	vld [tilespmem:$0x1FF80]  }
0x102: {  	v15 =	vadd.f32 v17, v15;
	v12 =	vadd.f32 v62, v12;
	[tilespmem:$0xF90] =	vst v60;
	v60 =	vmul.f32 v61, v4;
	v61 =	vld [tilespmem:$0x1FFC0]  }
0x103: {  	[tilespmem:$0x1030] =	vst v23;
	v62 =	vmul.f32 v55, v4;
	v17 =	vadd.f32 v54, v53;
	v54 =	vmul.f32 v39, v3;
	v39 =	vld [tilespmem:$0xDA0]  }
0x104: {  	v11 =	vadd.f32 v29, v11;
	v55 =	vmul.f32 v50, v3;
	v50 =	vmul.f32 v44, v3;
	[tilespmem:$0xF40] =	vst v49;
	v49 =	vld [tilespmem:$0x1FFA0]  }
0x105: {  	[tilespmem:$0x1040] =	vst v19;
	v40 =	vmul.f32 v32, v6;
	v16 =	vadd.f32 v59, v16;
	v59 =	vmul.f32 v48, v5;
	v48 =	vld [tilespmem:$0xD10]  }
0x106: {  	[tilespmem:$0x1070] =	vst v33;
	v12 =	vadd.f32 v30, v12;
	v53 =	vadd.f32 v60, v17;
	v60 =	vmul.f32 v28, v3;
	v28 =	vld [tilespmem:$0xE30]  }
0x107: {  	[tilespmem:$0x1080] =	vst v10;
	v17 =	vadd.f32 v57, v56;
	v10 =	vadd.f32 v40, v37;
	v52 =	vmul.f32 v43, v3;
	v57 =	vld [tilespmem:$0xDD0]  }
0x108: {  	[tilespmem:$0x1060] =	vst v20;
	v56 =	vmul.f32 v45, v3;
	v45 =	vld [tilespmem:$0xE60];
	v29 =	vadd.f32 v46, v59;
	v14 =	vadd.f32 v14, v16  }
0x109: {  	[tilespmem:$0x1090] =	vst v1;
	v59 =	vadd.f32 v25, v27;
	v27 =	vld [tilespmem:$0xD30];
	v16 =	vadd.f32 v54, v53;
	v51 =	vmul.f32 v42, v4  }
0x10a: {  	v25 =	vld [tilespmem:$0xDC0];
	[tilespmem:$0xFD0] =	vst v61;
	v29 =	vadd.f32 v62, v29;
	v61 =	vmul.f32 v21, v5;
	v62 =	vmul.f32 v34, v5  }
0x10b: {  	[tilespmem:$0x10A0] =	vst v0;
	v54 =	vld [tilespmem:$0xD50];
	v18 =	vadd.f32 v18, v59;
	v34 =	vmul.f32 v41, v4;
	v59 =	vmul.f32 v22, v3  }
0x10c: {  	[tilespmem:$0xF80] =	vst v58;
	v58 =	vld [tilespmem:$0x1FFB0];
	v46 =	vmul.f32 v48, v5;
	v29 =	vadd.f32 v55, v29;
	v9 =	vadd.f32 v9, v61  }
0x10d: {  	[tilespmem:$0x10B0] =	vst v2;
	v30 =	vld [tilespmem:$0xE20];
	v18 =	vadd.f32 v60, v18;
	v61 =	vmul.f32 v38, v5;
	v38 =	vmul.f32 v28, v4  }
0x10e: {  	[tilespmem:$0xFA0] =	vst v49;
	v49 =	vld [tilespmem:$0xE10];
	v55 =	vadd.f32 v51, v10;
	v10 =	vmul.f32 v57, v6;
	v57 =	vmul.f32 v45, v4  }
0x10f: {  	[tilespmem:$0x10C0] =	vst v7;
	v48 =	vld [tilespmem:$0xE40];
	v27 =	vmul.f32 v27, v5;
	v42 =	vmul.f32 v25, v6;
	v9 =	vadd.f32 v13, v9  }
0x110: {  	[tilespmem:$0x10D0] =	vst v8;
	v60 =	vld [tilespmem:$0xE50];
	v7 =	vadd.f32 v56, v55;
	v44 =	vmul.f32 v54, v5;
	v56 =	vmul.f32 v31, v3  }
0x111: {  	v21 =	vld [tilespmem:$0xDB0];
	[tilespmem:$0xFB0] =	vst v58;
	v58 =	vmul.f32 v63, v4;
	v63 =	vmul.f32 v47, v6  }
0x112: {  	[tilespmem:$0x10E0] =	vst v15;
	v37 =	vld [tilespmem:$0xDE0];
	v47 =	vmul.f32 v35, v6;
	v0 =	vadd.f32 v50, v9;
	v10 =	vadd.f32 v10, v44  }
0x113: {  	[tilespmem:$0x10F0] =	vst v11;
	v43 =	vld [tilespmem:$0xDF0];
	v53 =	vmul.f32 v49, v4;
	v17 =	vadd.f32 v58, v17;
	v33 =	vadd.f32 v63, v62  }
0x114: {  	[tilespmem:$0x1110] =	vst v12;
	v20 =	vadd.f32 v47, v46;
	v62 =	vmul.f32 v39, v6;
	v63 =	vld [tilespmem:$0xED0];
	v46 =	vmul.f32 v48, v4  }
0x115: {  	[tilespmem:$0x1100] =	vst v14;
	v48 =	vmul.f32 v60, v4;
	v17 =	vadd.f32 v26, v17;
	v41 =	vadd.f32 v34, v33;
	v34 =	vld [tilespmem:$0xD60]  }
0x116: {  	v40 =	vld [tilespmem:$0xD70];
	[tilespmem:$0x1120] =	vst v16;
	v58 =	vadd.f32 v53, v20;
	v33 =	vmul.f32 v21, v6;
	v9 =	vadd.f32 v62, v61  }
0x117: {  	v19 =	vld [tilespmem:$0xEB0];
	[tilespmem:$0x1130] =	vst v29;
	v35 =	vmul.f32 v30, v4;
	v54 =	vadd.f32 v48, v10;
	v1 =	vadd.f32 v52, v41  }
0x118: {  	[tilespmem:$0x1150] =	vst v18;
	v47 =	vld [tilespmem:$0xE70];
	v2 =	vadd.f32 v59, v58;
	v8 =	vadd.f32 v33, v27;
	v41 =	vmul.f32 v24, v5  }
0x119: {  	v49 =	vld [tilespmem:$0xEE0];
	[tilespmem:$0x1180] =	vst v7;
	v9 =	vadd.f32 v35, v9;
	v52 =	vmul.f32 v37, v6;
	v6 =	vmul.f32 v43, v6  }
0x11a: {  	[tilespmem:$0x1160] =	vst v0;
	v53 =	vld [tilespmem:$0xEF0];
	v59 =	vmul.f32 v63, v3;
	v8 =	vadd.f32 v38, v8;
	v51 =	vmul.f32 v34, v5  }
0x11b: {  	[tilespmem:$0x1140] =	vst v17;
	v9 =	vadd.f32 v36, v9;
	v14 =	vadd.f32 v42, v41;
	v5 =	vmul.f32 v40, v5  }
0x11c: {  	v39 =	vmul.f32 v19, v3;
	[tilespmem:$0x1170] =	vst v1;
	v1 =	vadd.f32 v59, v54;
	v55 =	vadd.f32 v52, v51  }
0x11d: {  	v4 =	vmul.f32 v47, v4;
	[tilespmem:$0x1190] =	vst v2;
	v50 =	vadd.f32 v46, v14;
	v58 =	vadd.f32 v6, v5  }
0x11e: {  	v61 =	vmul.f32 v49, v3;
	v8 =	vadd.f32 v39, v8;
	[tilespmem:$0x11A0] =	vst v9;
	v60 =	vadd.f32 v57, v55  }
0x11f: {  	v3 =	vmul.f32 v53, v3;
	[tilespmem:$0x11D0] =	vst v1;
	v0 =	vadd.f32 v56, v50;
	v2 =	vadd.f32 v4, v58  }
0x120: {  	[tilespmem:$0x11B0] =	vst v8;
	v62 =	vadd.f32 v61, v60  }
0x121: {  	[tilespmem:$0x11C0] =	vst v0;
	v63 =	vadd.f32 v3, v2  }
0x122: {  	p0 =	sne.s32 s8, $0x1;
	[tilespmem:$0x11E0] =	vst v62  }
.Ltmp1:
0x123: {  	[tilespmem:$0x11F0] =	vst v63;
	(pc) =	sbr.rel @p0 .LBB2_2-.Ltmp1, $4  }
0x124: {  	[hbm4b:s7+s4] =	stream.linear.scatter [tilespmem:s14], [sflag:$0x2], $0x300, $0x38;
	[tilespmem:$0x1200] =	vst v63  }
0x125: {  	_ =	swait.ge [sflag:s9], $0x300  }
0x126: {  	[sflag:s9] =	ssyncset.done $0x0  }
0x127: {  	s8 =	sadd.s32 $0xFFFFFFFF, s8;
	[sflag:s9] =	ssyncadd.s32 $0xFFFFFD00  }
.LBB2_3:
0x128: {  	_ =	sfence.sel $0x180000  }
0x129: {  	[bflag:$0x0] =	sbarrier.arrive $0xFFFF  }
0x12a: {  	p0 =	sne.s32 s2, $0x0;
	_ =	strace $0x90000047  }
0x12b: {  	s0 =	sadd.s32 @!p0 $0x100000, s1;
	[bflag:$0x2] =	sbarrier.arrive $0xFFFF  }
0x12c: {  	[sflag:s0] =	ssyncadd.tile.s32 @!p0 $0x1;
	_ =	shalt  }
.Lfunc_end2:
_tile_overlayer_lowered:
.L_overlay_start_2:
0x12d: {  	(tag) =	ssettag $0x2  }
0x12e: {  	s0 =	rddreg [dreg:$0x0];
	s2 =	stileid.u32  }
0x12f: {  	s1 =	rddreg [dreg:$0x1];
	p0 =	sne.s32 s2, $0x0  }
0x130: {  	s3 =	rddreg [dreg:$0x2];
	[bflag:$0x3] =	sbarrier.arrive $0xFFFF;
	s2 =	simm.s32 @!p0 $0x1C02  }
0x131: {  	[timem:s3], [sflag:s2] =	dma.local @!p0 [hbm:s0], s1  }
0x132: {  	s0 =	simm.s32 @!p0 $0x2  }
0x133: {  	_ =	swait.ge @!p0 [sflag:s0], s1  }
0x134: {  	s1 =	ssub.s32 @!p0 $0x0, s1;
	[sflag:s0] =	ssyncset.done @!p0 $0x0  }
0x135: {  	[sflag:s0] =	ssyncadd.s32 @!p0 s1  }
0x136: {  	[bflag:$0x3] =	sbarrier.arrive $0xFFFF  }
0x137: {  	_ =	shalt  }

</sc_bundles>
